<compile_context>
chip_gen: v7x
topology: tpu7x:2x2x1
jax: 0.10.2.dev20260603
libtpu: 0.0.44.dev20260713+nightly
codegen_flags: <defaults>
</compile_context>

<pallas_src>
import functools

import jax
import jax.numpy as jnp
from jax import lax
from jax.experimental import pallas as pl
from jax.experimental.pallas import tpu as pltpu
from jax.experimental.pallas import tpu_sc as plsc

D_MODEL = 128
NUM_COLORS = 16
P = 4
PP = P * P
D_HALF = D_MODEL // 2

B, H, W = 8, 224, 224
PH, PW = H // P, W // P
NROWS = B * PH
NC, NS, L = 2, 16, 16
NW = NC * NS
ROWS_PER_W = NROWS // NW

X_ROW = P * W
O_ROW = PW * D_MODEL
T_LEN = PP * NUM_COLORS * D_HALF
NBUF = 4


def _round_bf16_bits(u):
    return (u + jnp.uint32(0x7FFF) + ((u >> 16) & jnp.uint32(1))) >> 16


def _table_body(emb_ref, w_ref, t_ref):
    e = emb_ref[...]
    for p in range(PP):
        w = w_ref[:, p * D_MODEL:(p + 1) * D_MODEL]
        t = lax.dot_general(e, w, (((1,), (1,)), ((), ())),
                            preferred_element_type=jnp.float32)
        lo = lax.bitcast_convert_type(t[:, :D_HALF], jnp.uint32)
        hi = lax.bitcast_convert_type(t[:, D_HALF:], jnp.uint32)
        word = _round_bf16_bits(lo) | (_round_bf16_bits(hi) << 16)
        t_ref[p * NUM_COLORS:(p + 1) * NUM_COLORS, :] = (
            lax.bitcast_convert_type(word, jnp.int32))


def _build_table(emb, w_proj):
    return pl.pallas_call(
        _table_body,
        out_shape=jax.ShapeDtypeStruct((PP * NUM_COLORS, D_HALF), jnp.int32),
    )(emb, w_proj)


@functools.cache
def _make_sc_embed():
    mesh = plsc.VectorSubcoreMesh(core_axis_name="c", subcore_axis_name="s")
    return functools.partial(
        pl.kernel,
        out_type=jax.ShapeDtypeStruct((NROWS * O_ROW,), jnp.float32),
        mesh=mesh,
        scratch_types=[
            pltpu.VMEM((T_LEN,), jnp.int32),
            pltpu.VMEM((ROWS_PER_W * X_ROW,), jnp.int32),
            pltpu.VMEM((NBUF * O_ROW,), jnp.float32),
            pltpu.SemaphoreType.DMA,
        ],
        compiler_params=pltpu.CompilerParams(needs_layout_passes=False),
    )(_sc_embed_body)


def _sc_embed_body(x_hbm, t_hbm, out_hbm, t_v, x_v, o_v, o_sem):
    wid = lax.axis_index("s") * NC + lax.axis_index("c")
    pltpu.sync_copy(t_hbm, t_v)
    pltpu.sync_copy(
        x_hbm.at[pl.ds(wid * (ROWS_PER_W * X_ROW), ROWS_PER_W * X_ROW)], x_v)
    lanes = lax.iota(jnp.int32, L)
    pos_x = (lanes // P) * W + (lanes % P)
    pos_t = lanes * (NUM_COLORS * D_HALF)
    splat_p = [jnp.full((L,), p, jnp.int32) for p in range(PP)]
    t_dg = [t_v.at[pl.ds(dg * L, T_LEN - dg * L)] for dg in range(D_HALF // L)]

    def o_copy(i, par):
        return pltpu.make_async_copy(
            o_v.at[pl.ds(par * O_ROW, O_ROW)],
            out_hbm.at[pl.ds((wid * ROWS_PER_W + i) * O_ROW, O_ROW)],
            o_sem)

    def row_body(i, _):
        par = lax.rem(i, NBUF)

        @pl.when(i >= NBUF)
        def _wait_reuse():
            o_copy(i - NBUF, par).wait()

        o_base = par * O_ROW
        x_base = i * X_ROW

        @plsc.parallel_loop(0, PW, unroll=2)
        def patch_body(pw):
            cv = plsc.load_gather(x_v, [pos_x + (pw * P + x_base)])
            tcode = cv * D_HALF + pos_t
            sp = [jnp.take_along_axis(tcode, splat_p[p], axis=0) + lanes
                  for p in range(PP)]
            for dg in range(D_HALF // L):
                g = [plsc.bitcast(plsc.load_gather(t_dg[dg], [sp[p]]),
                                  jnp.bfloat16) for p in range(PP)]
                while len(g) > 1:
                    g = [g[j] + g[j + 1] for j in range(0, len(g), 2)]
                a, b_ = plsc.unpack(g[0], format=plsc.PackFormat.INTERLEAVED)
                base = o_base + pw * D_MODEL + dg * L
                o_v[pl.ds(base, L)] = a
                o_v[pl.ds(base + D_HALF, L)] = b_

        o_copy(i, par).start()
        return _

    lax.fori_loop(0, ROWS_PER_W, row_body, None)
    for k in range(NBUF):
        i = ROWS_PER_W - NBUF + k
        o_copy(i, i % NBUF).wait()


def kernel(x, embed_table, W_proj):
    x2 = x.astype(jnp.int32).reshape(B * H * W)
    t = _build_table(embed_table, W_proj).reshape(T_LEN)
    out = _make_sc_embed()(x2, t)
    return out.reshape(B, PH, PW, D_MODEL)

# --- scband reference (transcript-rebuilt; emitter-appended) ---
"""Pipeline reference for scband-grid-embedding-73933567034201 (READ-ONLY COPY).

The authoritative reference and input builder live on the scoring server;
editing this copy changes nothing except your own understanding.
"""

import jax, jax.numpy as jnp
import numpy as np

D_MODEL = 128
NUM_COLORS = 16
PATCH = 4

def setup_inputs(seed: int = 0) -> dict:
    key = jax.random.key(seed)
    k1, k2, k3 = jax.random.split(key, 3)
    x = jax.random.randint(k1, (8, 224, 224), 0, NUM_COLORS, dtype=jnp.int64 if jax.config.jax_enable_x64 else jnp.int32)
    embed_table = jax.random.normal(k2, (NUM_COLORS, D_MODEL), dtype=jnp.float32)
    # torch nn.Linear weight shape: [out_features, in_features]
    fan_in = PATCH * PATCH * D_MODEL
    W_proj = jax.random.uniform(k3, (D_MODEL, fan_in), dtype=jnp.float32, minval=-1.0, maxval=1.0) * (1.0 / np.sqrt(fan_in))
    return {"x": x, "embed_table": embed_table, "W_proj": W_proj}

def reference(x, embed_table, W_proj):
    B, H, W = x.shape
    P = PATCH
    Ph, Pw = H // P, W // P
    # patchify: [B, Ph, P, Pw, P] -> [B, Ph, Pw, P, P] -> [B, Ph, Pw, P*P]
    x_p = x.reshape(B, Ph, P, Pw, P)
    x_p = jnp.transpose(x_p, (0, 1, 3, 2, 4))
    x_p = x_p.reshape(B, Ph, Pw, P * P)
    # embedding gather: [B, Ph, Pw, P*P, d_model]
    embedded = jnp.take(embed_table, x_p, axis=0)
    patch_flat = embedded.reshape(B, Ph, Pw, P * P * D_MODEL)
    # linear without bias: y = x @ W.T
    return patch_flat @ W_proj.T

if __name__ == "__main__":
    import jax
    _d = setup_inputs()
    print(jax.jit(kernel)(*tuple(_d.values())))

</pallas_src>

<mosaic_0001>
#map = affine_map<(d0, d1) -> (0)>
module attributes {stable_mosaic.version = 14 : i64} {
  func.func @_sc_embed_body(%arg0: i32, %arg1: i32, %arg2: memref<401408xi32, #tpu.memory_space<hbm>>, %arg3: memref<16384xi32, #tpu.memory_space<hbm>>, %arg4: memref<3211264xf32, #tpu.memory_space<hbm>>, %arg5: memref<16384xi32, #tpu.memory_space<vmem>>, %arg6: memref<12544xi32, #tpu.memory_space<vmem>>, %arg7: memref<28672xf32, #tpu.memory_space<vmem>>, %arg8: memref<!tpu.dma_semaphore, #tpu.memory_space<semaphore_mem>>) attributes {dimension_semantics = [#tpu.dimension_semantics<core_parallel>, #tpu.dimension_semantics<subcore_parallel>], iteration_bounds = array<i64: 2, 16>, scalar_prefetch = 0 : i64, scratch_operands = 4 : i64, tpu.core_type = #tpu.core_type<sc_vector_subcore>, window_params = [{transform_indices = #map}, {transform_indices = #map}, {transform_indices = #map}]} {
    %mul3A = arith.constant 2 : i32
    %mul3A_0 = arith.muli %arg1, %mul3A : i32
    %add3A = arith.addi %mul3A_0, %arg0 : i32
    "tpu.region"() ({
      %run_scoped3A = tpu.sem_alloc : memref<!tpu.dma_semaphore, #tpu.memory_space<semaphore_mem>>
      tpu.enqueue_dma source(%arg3 : memref<16384xi32, #tpu.memory_space<hbm>>) target(%arg5 : memref<16384xi32, #tpu.memory_space<vmem>>) target_semaphore(%run_scoped3A : memref<!tpu.dma_semaphore, #tpu.memory_space<semaphore_mem>>)
      tpu.wait_dma2 semaphore(%run_scoped3A : memref<!tpu.dma_semaphore, #tpu.memory_space<semaphore_mem>>) src(%arg3 : memref<16384xi32, #tpu.memory_space<hbm>>) dst(%arg5 : memref<16384xi32, #tpu.memory_space<vmem>>)
      tpu.yield
    }) : () -> ()
    %mul3A_1 = arith.constant 12544 : i32
    %mul3A_2 = arith.muli %add3A, %mul3A_1 : i32
    "tpu.region"() ({
      %run_scoped3A = tpu.sem_alloc : memref<!tpu.dma_semaphore, #tpu.memory_space<semaphore_mem>>
      %dma_start3A = tpu.memref_slice %arg2[%mul3A_2] : memref<401408xi32, #tpu.memory_space<hbm>> -> memref<12544xi32, #tpu.memory_space<hbm>>
      %dma_start3A_135 = tpu.memref_slice %arg2[%mul3A_2] : memref<401408xi32, #tpu.memory_space<hbm>> -> memref<12544xi32, #tpu.memory_space<hbm>>
      tpu.enqueue_dma source(%dma_start3A_135 : memref<12544xi32, #tpu.memory_space<hbm>>) target(%arg6 : memref<12544xi32, #tpu.memory_space<vmem>>) target_semaphore(%run_scoped3A : memref<!tpu.dma_semaphore, #tpu.memory_space<semaphore_mem>>)
      %dma_wait3A_136 = tpu.memref_slice %arg2[%mul3A_2] : memref<401408xi32, #tpu.memory_space<hbm>> -> memref<12544xi32, #tpu.memory_space<hbm>>
      %dma_wait3A_137 = tpu.memref_slice %arg2[%mul3A_2] : memref<401408xi32, #tpu.memory_space<hbm>> -> memref<12544xi32, #tpu.memory_space<hbm>>
      tpu.wait_dma2 semaphore(%run_scoped3A : memref<!tpu.dma_semaphore, #tpu.memory_space<semaphore_mem>>) src(%dma_wait3A_137 : memref<12544xi32, #tpu.memory_space<hbm>>) dst(%arg6 : memref<12544xi32, #tpu.memory_space<vmem>>)
      tpu.yield
    }) : () -> ()
    %iota3A = tpu.iota {dimensions = array<i32: 0>} : vector<16xi32>
    %jit3A = arith.constant 4 : i32
    %div3A = vector.broadcast %jit3A : i32 to vector<16xi32>
    %div3A_3 = arith.divsi %iota3A, %div3A : vector<16xi32>
    %sign3A = arith.constant 0 : i32
    %sign3A_4 = vector.broadcast %sign3A : i32 to vector<16xi32>
    %sign3A_5 = arith.cmpi sgt, %iota3A, %sign3A_4 : vector<16xi32>
    %sign3A_6 = arith.extui %sign3A_5 : vector<16xi1> to vector<16xi32>
    %sign3A_7 = arith.constant 0 : i32
    %sign3A_8 = vector.broadcast %sign3A_7 : i32 to vector<16xi32>
    %sign3A_9 = arith.cmpi slt, %iota3A, %sign3A_8 : vector<16xi32>
    %sign3A_10 = arith.extui %sign3A_9 : vector<16xi1> to vector<16xi32>
    %sign3A_11 = arith.subi %sign3A_6, %sign3A_10 : vector<16xi32>
    %sign3A_12 = arith.constant 0 : i32
    %sign3A_13 = arith.cmpi sgt, %jit3A, %sign3A_12 : i32
    %sign3A_14 = arith.extui %sign3A_13 : i1 to i32
    %sign3A_15 = arith.constant 0 : i32
    %sign3A_16 = arith.cmpi slt, %jit3A, %sign3A_15 : i32
    %sign3A_17 = arith.extui %sign3A_16 : i1 to i32
    %sign3A_18 = arith.subi %sign3A_14, %sign3A_17 : i32
    %ne3A = vector.broadcast %sign3A_18 : i32 to vector<16xi32>
    %ne3A_19 = arith.cmpi ne, %sign3A_11, %ne3A : vector<16xi32>
    %rem3A = vector.broadcast %jit3A : i32 to vector<16xi32>
    %rem3A_20 = arith.remsi %iota3A, %rem3A : vector<16xi32>
    %ne3A_21 = arith.constant 0 : i32
    %ne3A_22 = vector.broadcast %ne3A_21 : i32 to vector<16xi32>
    %ne3A_23 = arith.cmpi ne, %rem3A_20, %ne3A_22 : vector<16xi32>
    %and3A = arith.andi %ne3A_19, %ne3A_23 : vector<16xi1>
    %sub3A = arith.constant 1 : i32
    %sub3A_24 = vector.broadcast %sub3A : i32 to vector<16xi32>
    %sub3A_25 = arith.subi %div3A_3, %sub3A_24 : vector<16xi32>
    %select_n3A = arith.select %and3A, %sub3A_25, %div3A_3 : vector<16xi1>, vector<16xi32>
    %mul3A_26 = arith.constant 224 : i32
    %mul3A_27 = vector.broadcast %mul3A_26 : i32 to vector<16xi32>
    %mul3A_28 = arith.muli %select_n3A, %mul3A_27 : vector<16xi32>
    %jit3A_29 = arith.constant 4 : i32
    %eq3A = arith.constant 0 : i32
    %eq3A_30 = arith.cmpi eq, %jit3A_29, %eq3A : i32
    %jit3A_31 = arith.constant 1 : i32
    %select_n3A_32 = arith.select %eq3A_30, %jit3A_31, %jit3A_29 : i32
    %rem3A_33 = vector.broadcast %select_n3A_32 : i32 to vector<16xi32>
    %rem3A_34 = arith.remsi %iota3A, %rem3A_33 : vector<16xi32>
    %ne3A_35 = arith.constant 0 : i32
    %ne3A_36 = vector.broadcast %ne3A_35 : i32 to vector<16xi32>
    %ne3A_37 = arith.cmpi ne, %rem3A_34, %ne3A_36 : vector<16xi32>
    %lt3A = arith.constant 0 : i32
    %lt3A_38 = vector.broadcast %lt3A : i32 to vector<16xi32>
    %lt3A_39 = arith.cmpi slt, %rem3A_34, %lt3A_38 : vector<16xi32>
    %lt3A_40 = arith.constant 0 : i32
    %lt3A_41 = arith.cmpi slt, %select_n3A_32, %lt3A_40 : i32
    %ne3A_42 = vector.broadcast %lt3A_41 : i1 to vector<16xi1>
    %ne3A_43 = vector.broadcast %ne3A_42 : vector<16xi1> to vector<16xi1>
    %ne3A_44 = arith.xori %lt3A_39, %ne3A_43 : vector<16xi1>
    %and3A_45 = arith.andi %ne3A_44, %ne3A_37 : vector<16xi1>
    %add3A_46 = vector.broadcast %select_n3A_32 : i32 to vector<16xi32>
    %add3A_47 = arith.addi %rem3A_34, %add3A_46 : vector<16xi32>
    %select_n3A_48 = arith.select %and3A_45, %add3A_47, %rem3A_34 : vector<16xi1>, vector<16xi32>
    %add3A_49 = arith.addi %mul3A_28, %select_n3A_48 : vector<16xi32>
    %mul3A_50 = arith.constant 1024 : i32
    %mul3A_51 = vector.broadcast %mul3A_50 : i32 to vector<16xi32>
    %mul3A_52 = arith.muli %iota3A, %mul3A_51 : vector<16xi32>
    %broadcast_in_dim3A = arith.constant 0 : i32
    %broadcast_in_dim3A_53 = vector.broadcast %broadcast_in_dim3A : i32 to vector<16xi32>
    %broadcast_in_dim3A_54 = arith.constant 1 : i32
    %broadcast_in_dim3A_55 = vector.broadcast %broadcast_in_dim3A_54 : i32 to vector<16xi32>
    %broadcast_in_dim3A_56 = arith.constant 2 : i32
    %broadcast_in_dim3A_57 = vector.broadcast %broadcast_in_dim3A_56 : i32 to vector<16xi32>
    %broadcast_in_dim3A_58 = arith.constant 3 : i32
    %broadcast_in_dim3A_59 = vector.broadcast %broadcast_in_dim3A_58 : i32 to vector<16xi32>
    %broadcast_in_dim3A_60 = arith.constant 4 : i32
    %broadcast_in_dim3A_61 = vector.broadcast %broadcast_in_dim3A_60 : i32 to vector<16xi32>
    %broadcast_in_dim3A_62 = arith.constant 5 : i32
    %broadcast_in_dim3A_63 = vector.broadcast %broadcast_in_dim3A_62 : i32 to vector<16xi32>
    %broadcast_in_dim3A_64 = arith.constant 6 : i32
    %broadcast_in_dim3A_65 = vector.broadcast %broadcast_in_dim3A_64 : i32 to vector<16xi32>
    %broadcast_in_dim3A_66 = arith.constant 7 : i32
    %broadcast_in_dim3A_67 = vector.broadcast %broadcast_in_dim3A_66 : i32 to vector<16xi32>
    %broadcast_in_dim3A_68 = arith.constant 8 : i32
    %broadcast_in_dim3A_69 = vector.broadcast %broadcast_in_dim3A_68 : i32 to vector<16xi32>
    %broadcast_in_dim3A_70 = arith.constant 9 : i32
    %broadcast_in_dim3A_71 = vector.broadcast %broadcast_in_dim3A_70 : i32 to vector<16xi32>
    %broadcast_in_dim3A_72 = arith.constant 10 : i32
    %broadcast_in_dim3A_73 = vector.broadcast %broadcast_in_dim3A_72 : i32 to vector<16xi32>
    %broadcast_in_dim3A_74 = arith.constant 11 : i32
    %broadcast_in_dim3A_75 = vector.broadcast %broadcast_in_dim3A_74 : i32 to vector<16xi32>
    %broadcast_in_dim3A_76 = arith.constant 12 : i32
    %broadcast_in_dim3A_77 = vector.broadcast %broadcast_in_dim3A_76 : i32 to vector<16xi32>
    %broadcast_in_dim3A_78 = arith.constant 13 : i32
    %broadcast_in_dim3A_79 = vector.broadcast %broadcast_in_dim3A_78 : i32 to vector<16xi32>
    %broadcast_in_dim3A_80 = arith.constant 14 : i32
    %broadcast_in_dim3A_81 = vector.broadcast %broadcast_in_dim3A_80 : i32 to vector<16xi32>
    %broadcast_in_dim3A_82 = arith.constant 15 : i32
    %broadcast_in_dim3A_83 = vector.broadcast %broadcast_in_dim3A_82 : i32 to vector<16xi32>
    %scan3A = arith.constant 0 : i32
    %scan3A_84 = arith.constant 14 : i32
    %scan3A_85 = arith.addi %scan3A, %scan3A_84 : i32
    %scan3A_86 = arith.constant 1 : i32
    scf.for %scan3A_135 = %scan3A to %scan3A_85 step %scan3A_86  : i32 {
      %rem3A_136 = arith.constant 4 : i32
      %rem3A_137 = arith.remsi %scan3A_135, %rem3A_136 : i32
      %ge3A = arith.constant 4 : i32
      %ge3A_138 = arith.cmpi sge, %scan3A_135, %ge3A : i32
      %convert_element_type3A = arith.extui %ge3A_138 : i1 to i32
      %cond3A = arith.constant 0 : i32
      %cond3A_139 = arith.cmpi ne, %convert_element_type3A, %cond3A : i32
      scf.if %cond3A_139 {
        %sub3A_156 = arith.constant 4 : i32
        %sub3A_157 = arith.subi %scan3A_135, %sub3A_156 : i32
        %mul3A_158 = arith.constant 7168 : i32
        %mul3A_159 = arith.muli %rem3A_137, %mul3A_158 : i32
        %mul3A_160 = arith.constant 14 : i32
        %mul3A_161 = arith.muli %add3A, %mul3A_160 : i32
        %add3A_162 = arith.addi %mul3A_161, %sub3A_157 : i32
        %mul3A_163 = arith.constant 7168 : i32
        %mul3A_164 = arith.muli %add3A_162, %mul3A_163 : i32
        %dma_wait3A_165 = tpu.memref_slice %arg7[%mul3A_159] : memref<28672xf32, #tpu.memory_space<vmem>> -> memref<7168xf32, #tpu.memory_space<vmem>>
        %dma_wait3A_166 = tpu.memref_slice %arg4[%mul3A_164] : memref<3211264xf32, #tpu.memory_space<hbm>> -> memref<7168xf32, #tpu.memory_space<hbm>>
        %dma_wait3A_167 = tpu.memref_slice %arg4[%mul3A_164] : memref<3211264xf32, #tpu.memory_space<hbm>> -> memref<7168xf32, #tpu.memory_space<hbm>>
        %dma_wait3A_168 = tpu.memref_slice %arg7[%mul3A_159] : memref<28672xf32, #tpu.memory_space<vmem>> -> memref<7168xf32, #tpu.memory_space<vmem>>
        tpu.wait_dma2 semaphore(%arg8 : memref<!tpu.dma_semaphore, #tpu.memory_space<semaphore_mem>>) src(%dma_wait3A_168 : memref<7168xf32, #tpu.memory_space<vmem>>) dst(%dma_wait3A_167 : memref<7168xf32, #tpu.memory_space<hbm>>)
      } else {
      }
      %mul3A_140 = arith.constant 7168 : i32
      %mul3A_141 = arith.muli %rem3A_137, %mul3A_140 : i32
      %mul3A_142 = arith.constant 896 : i32
      %mul3A_143 = arith.muli %scan3A_135, %mul3A_142 : i32
      %parallel_loop3A = arith.constant 0 : i32
      %parallel_loop3A_144 = arith.constant 56 : i32
      %parallel_loop3A_145 = arith.constant 1 : i32
      scf.for %parallel_loop3A_156 = %parallel_loop3A to %parallel_loop3A_144 step %parallel_loop3A_145  : i32 {
        %parallel_loop3A_157 = arith.constant 4 : i32
        %parallel_loop3A_158 = arith.muli %parallel_loop3A_156, %parallel_loop3A_157 : i32
        %parallel_loop3A_159 = arith.addi %parallel_loop3A_158, %mul3A_143 : i32
        %parallel_loop3A_160 = vector.broadcast %parallel_loop3A_159 : i32 to vector<16xi32>
        %parallel_loop3A_161 = arith.addi %add3A_49, %parallel_loop3A_160 : vector<16xi32>
        %parallel_loop3A_162 = tpu.vector_load_idx %arg6[%parallel_loop3A_161] : memref<12544xi32, #tpu.memory_space<vmem>>[vector<16xi32>], vector<16xi32>,
        %parallel_loop3A_163 = arith.constant 64 : i32
        %parallel_loop3A_164 = vector.broadcast %parallel_loop3A_163 : i32 to vector<16xi32>
        %parallel_loop3A_165 = arith.muli %parallel_loop3A_162, %parallel_loop3A_164 : vector<16xi32>
        %parallel_loop3A_166 = arith.addi %parallel_loop3A_165, %mul3A_52 : vector<16xi32>
        %parallel_loop3A_167 = arith.constant 0 : i32
        %parallel_loop3A_168 = vector.broadcast %parallel_loop3A_167 : i32 to vector<16xi32>
        %parallel_loop3A_169 = arith.cmpi slt, %broadcast_in_dim3A_53, %parallel_loop3A_168 : vector<16xi32>
        %parallel_loop3A_170 = arith.constant 16 : i32
        %parallel_loop3A_171 = vector.broadcast %parallel_loop3A_170 : i32 to vector<16xi32>
        %parallel_loop3A_172 = arith.addi %broadcast_in_dim3A_53, %parallel_loop3A_171 : vector<16xi32>
        %parallel_loop3A_173 = arith.select %parallel_loop3A_169, %parallel_loop3A_172, %broadcast_in_dim3A_53 : vector<16xi1>, vector<16xi32>
        %parallel_loop3A_174 = vector.shape_cast %parallel_loop3A_173 : vector<16xi32> to vector<16x1xi32>
        %parallel_loop3A_175 = vector.shape_cast %parallel_loop3A_174 : vector<16x1xi32> to vector<16xi32>
        %parallel_loop3A_176 = tpu.dynamic_gather %parallel_loop3A_166[%parallel_loop3A_175] in [0] : vector<16xi32>, vector<16xi32> -> vector<16xi32>
        %parallel_loop3A_177 = arith.addi %parallel_loop3A_176, %iota3A : vector<16xi32>
        %parallel_loop3A_178 = arith.constant 0 : i32
        %parallel_loop3A_179 = vector.broadcast %parallel_loop3A_178 : i32 to vector<16xi32>
        %parallel_loop3A_180 = arith.cmpi slt, %broadcast_in_dim3A_55, %parallel_loop3A_179 : vector<16xi32>
        %parallel_loop3A_181 = arith.constant 16 : i32
        %parallel_loop3A_182 = vector.broadcast %parallel_loop3A_181 : i32 to vector<16xi32>
        %parallel_loop3A_183 = arith.addi %broadcast_in_dim3A_55, %parallel_loop3A_182 : vector<16xi32>
        %parallel_loop3A_184 = arith.select %parallel_loop3A_180, %parallel_loop3A_183, %broadcast_in_dim3A_55 : vector<16xi1>, vector<16xi32>
        %parallel_loop3A_185 = vector.shape_cast %parallel_loop3A_184 : vector<16xi32> to vector<16x1xi32>
        %parallel_loop3A_186 = vector.shape_cast %parallel_loop3A_185 : vector<16x1xi32> to vector<16xi32>
        %parallel_loop3A_187 = tpu.dynamic_gather %parallel_loop3A_166[%parallel_loop3A_186] in [0] : vector<16xi32>, vector<16xi32> -> vector<16xi32>
        %parallel_loop3A_188 = arith.addi %parallel_loop3A_187, %iota3A : vector<16xi32>
        %parallel_loop3A_189 = arith.constant 0 : i32
        %parallel_loop3A_190 = vector.broadcast %parallel_loop3A_189 : i32 to vector<16xi32>
        %parallel_loop3A_191 = arith.cmpi slt, %broadcast_in_dim3A_57, %parallel_loop3A_190 : vector<16xi32>
        %parallel_loop3A_192 = arith.constant 16 : i32
        %parallel_loop3A_193 = vector.broadcast %parallel_loop3A_192 : i32 to vector<16xi32>
        %parallel_loop3A_194 = arith.addi %broadcast_in_dim3A_57, %parallel_loop3A_193 : vector<16xi32>
        %parallel_loop3A_195 = arith.select %parallel_loop3A_191, %parallel_loop3A_194, %broadcast_in_dim3A_57 : vector<16xi1>, vector<16xi32>
        %parallel_loop3A_196 = vector.shape_cast %parallel_loop3A_195 : vector<16xi32> to vector<16x1xi32>
        %parallel_loop3A_197 = vector.shape_cast %parallel_loop3A_196 : vector<16x1xi32> to vector<16xi32>
        %parallel_loop3A_198 = tpu.dynamic_gather %parallel_loop3A_166[%parallel_loop3A_197] in [0] : vector<16xi32>, vector<16xi32> -> vector<16xi32>
        %parallel_loop3A_199 = arith.addi %parallel_loop3A_198, %iota3A : vector<16xi32>
        %parallel_loop3A_200 = arith.constant 0 : i32
        %parallel_loop3A_201 = vector.broadcast %parallel_loop3A_200 : i32 to vector<16xi32>
        %parallel_loop3A_202 = arith.cmpi slt, %broadcast_in_dim3A_59, %parallel_loop3A_201 : vector<16xi32>
        %parallel_loop3A_203 = arith.constant 16 : i32
        %parallel_loop3A_204 = vector.broadcast %parallel_loop3A_203 : i32 to vector<16xi32>
        %parallel_loop3A_205 = arith.addi %broadcast_in_dim3A_59, %parallel_loop3A_204 : vector<16xi32>
        %parallel_loop3A_206 = arith.select %parallel_loop3A_202, %parallel_loop3A_205, %broadcast_in_dim3A_59 : vector<16xi1>, vector<16xi32>
        %parallel_loop3A_207 = vector.shape_cast %parallel_loop3A_206 : vector<16xi32> to vector<16x1xi32>
        %parallel_loop3A_208 = vector.shape_cast %parallel_loop3A_207 : vector<16x1xi32> to vector<16xi32>
        %parallel_loop3A_209 = tpu.dynamic_gather %parallel_loop3A_166[%parallel_loop3A_208] in [0] : vector<16xi32>, vector<16xi32> -> vector<16xi32>
        %parallel_loop3A_210 = arith.addi %parallel_loop3A_209, %iota3A : vector<16xi32>
        %parallel_loop3A_211 = arith.constant 0 : i32
        %parallel_loop3A_212 = vector.broadcast %parallel_loop3A_211 : i32 to vector<16xi32>
        %parallel_loop3A_213 = arith.cmpi slt, %broadcast_in_dim3A_61, %parallel_loop3A_212 : vector<16xi32>
        %parallel_loop3A_214 = arith.constant 16 : i32
        %parallel_loop3A_215 = vector.broadcast %parallel_loop3A_214 : i32 to vector<16xi32>
        %parallel_loop3A_216 = arith.addi %broadcast_in_dim3A_61, %parallel_loop3A_215 : vector<16xi32>
        %parallel_loop3A_217 = arith.select %parallel_loop3A_213, %parallel_loop3A_216, %broadcast_in_dim3A_61 : vector<16xi1>, vector<16xi32>
        %parallel_loop3A_218 = vector.shape_cast %parallel_loop3A_217 : vector<16xi32> to vector<16x1xi32>
        %parallel_loop3A_219 = vector.shape_cast %parallel_loop3A_218 : vector<16x1xi32> to vector<16xi32>
        %parallel_loop3A_220 = tpu.dynamic_gather %parallel_loop3A_166[%parallel_loop3A_219] in [0] : vector<16xi32>, vector<16xi32> -> vector<16xi32>
        %parallel_loop3A_221 = arith.addi %parallel_loop3A_220, %iota3A : vector<16xi32>
        %parallel_loop3A_222 = arith.constant 0 : i32
        %parallel_loop3A_223 = vector.broadcast %parallel_loop3A_222 : i32 to vector<16xi32>
        %parallel_loop3A_224 = arith.cmpi slt, %broadcast_in_dim3A_63, %parallel_loop3A_223 : vector<16xi32>
        %parallel_loop3A_225 = arith.constant 16 : i32
        %parallel_loop3A_226 = vector.broadcast %parallel_loop3A_225 : i32 to vector<16xi32>
        %parallel_loop3A_227 = arith.addi %broadcast_in_dim3A_63, %parallel_loop3A_226 : vector<16xi32>
        %parallel_loop3A_228 = arith.select %parallel_loop3A_224, %parallel_loop3A_227, %broadcast_in_dim3A_63 : vector<16xi1>, vector<16xi32>
        %parallel_loop3A_229 = vector.shape_cast %parallel_loop3A_228 : vector<16xi32> to vector<16x1xi32>
        %parallel_loop3A_230 = vector.shape_cast %parallel_loop3A_229 : vector<16x1xi32> to vector<16xi32>
        %parallel_loop3A_231 = tpu.dynamic_gather %parallel_loop3A_166[%parallel_loop3A_230] in [0] : vector<16xi32>, vector<16xi32> -> vector<16xi32>
        %parallel_loop3A_232 = arith.addi %parallel_loop3A_231, %iota3A : vector<16xi32>
        %parallel_loop3A_233 = arith.constant 0 : i32
        %parallel_loop3A_234 = vector.broadcast %parallel_loop3A_233 : i32 to vector<16xi32>
        %parallel_loop3A_235 = arith.cmpi slt, %broadcast_in_dim3A_65, %parallel_loop3A_234 : vector<16xi32>
        %parallel_loop3A_236 = arith.constant 16 : i32
        %parallel_loop3A_237 = vector.broadcast %parallel_loop3A_236 : i32 to vector<16xi32>
        %parallel_loop3A_238 = arith.addi %broadcast_in_dim3A_65, %parallel_loop3A_237 : vector<16xi32>
        %parallel_loop3A_239 = arith.select %parallel_loop3A_235, %parallel_loop3A_238, %broadcast_in_dim3A_65 : vector<16xi1>, vector<16xi32>
        %parallel_loop3A_240 = vector.shape_cast %parallel_loop3A_239 : vector<16xi32> to vector<16x1xi32>
        %parallel_loop3A_241 = vector.shape_cast %parallel_loop3A_240 : vector<16x1xi32> to vector<16xi32>
        %parallel_loop3A_242 = tpu.dynamic_gather %parallel_loop3A_166[%parallel_loop3A_241] in [0] : vector<16xi32>, vector<16xi32> -> vector<16xi32>
        %parallel_loop3A_243 = arith.addi %parallel_loop3A_242, %iota3A : vector<16xi32>
        %parallel_loop3A_244 = arith.constant 0 : i32
        %parallel_loop3A_245 = vector.broadcast %parallel_loop3A_244 : i32 to vector<16xi32>
        %parallel_loop3A_246 = arith.cmpi slt, %broadcast_in_dim3A_67, %parallel_loop3A_245 : vector<16xi32>
        %parallel_loop3A_247 = arith.constant 16 : i32
        %parallel_loop3A_248 = vector.broadcast %parallel_loop3A_247 : i32 to vector<16xi32>
        %parallel_loop3A_249 = arith.addi %broadcast_in_dim3A_67, %parallel_loop3A_248 : vector<16xi32>
        %parallel_loop3A_250 = arith.select %parallel_loop3A_246, %parallel_loop3A_249, %broadcast_in_dim3A_67 : vector<16xi1>, vector<16xi32>
        %parallel_loop3A_251 = vector.shape_cast %parallel_loop3A_250 : vector<16xi32> to vector<16x1xi32>
        %parallel_loop3A_252 = vector.shape_cast %parallel_loop3A_251 : vector<16x1xi32> to vector<16xi32>
        %parallel_loop3A_253 = tpu.dynamic_gather %parallel_loop3A_166[%parallel_loop3A_252] in [0] : vector<16xi32>, vector<16xi32> -> vector<16xi32>
        %parallel_loop3A_254 = arith.addi %parallel_loop3A_253, %iota3A : vector<16xi32>
        %parallel_loop3A_255 = arith.constant 0 : i32
        %parallel_loop3A_256 = vector.broadcast %parallel_loop3A_255 : i32 to vector<16xi32>
        %parallel_loop3A_257 = arith.cmpi slt, %broadcast_in_dim3A_69, %parallel_loop3A_256 : vector<16xi32>
        %parallel_loop3A_258 = arith.constant 16 : i32
        %parallel_loop3A_259 = vector.broadcast %parallel_loop3A_258 : i32 to vector<16xi32>
        %parallel_loop3A_260 = arith.addi %broadcast_in_dim3A_69, %parallel_loop3A_259 : vector<16xi32>
        %parallel_loop3A_261 = arith.select %parallel_loop3A_257, %parallel_loop3A_260, %broadcast_in_dim3A_69 : vector<16xi1>, vector<16xi32>
        %parallel_loop3A_262 = vector.shape_cast %parallel_loop3A_261 : vector<16xi32> to vector<16x1xi32>
        %parallel_loop3A_263 = vector.shape_cast %parallel_loop3A_262 : vector<16x1xi32> to vector<16xi32>
        %parallel_loop3A_264 = tpu.dynamic_gather %parallel_loop3A_166[%parallel_loop3A_263] in [0] : vector<16xi32>, vector<16xi32> -> vector<16xi32>
        %parallel_loop3A_265 = arith.addi %parallel_loop3A_264, %iota3A : vector<16xi32>
        %parallel_loop3A_266 = arith.constant 0 : i32
        %parallel_loop3A_267 = vector.broadcast %parallel_loop3A_266 : i32 to vector<16xi32>
        %parallel_loop3A_268 = arith.cmpi slt, %broadcast_in_dim3A_71, %parallel_loop3A_267 : vector<16xi32>
        %parallel_loop3A_269 = arith.constant 16 : i32
        %parallel_loop3A_270 = vector.broadcast %parallel_loop3A_269 : i32 to vector<16xi32>
        %parallel_loop3A_271 = arith.addi %broadcast_in_dim3A_71, %parallel_loop3A_270 : vector<16xi32>
        %parallel_loop3A_272 = arith.select %parallel_loop3A_268, %parallel_loop3A_271, %broadcast_in_dim3A_71 : vector<16xi1>, vector<16xi32>
        %parallel_loop3A_273 = vector.shape_cast %parallel_loop3A_272 : vector<16xi32> to vector<16x1xi32>
        %parallel_loop3A_274 = vector.shape_cast %parallel_loop3A_273 : vector<16x1xi32> to vector<16xi32>
        %parallel_loop3A_275 = tpu.dynamic_gather %parallel_loop3A_166[%parallel_loop3A_274] in [0] : vector<16xi32>, vector<16xi32> -> vector<16xi32>
        %parallel_loop3A_276 = arith.addi %parallel_loop3A_275, %iota3A : vector<16xi32>
        %parallel_loop3A_277 = arith.constant 0 : i32
        %parallel_loop3A_278 = vector.broadcast %parallel_loop3A_277 : i32 to vector<16xi32>
        %parallel_loop3A_279 = arith.cmpi slt, %broadcast_in_dim3A_73, %parallel_loop3A_278 : vector<16xi32>
        %parallel_loop3A_280 = arith.constant 16 : i32
        %parallel_loop3A_281 = vector.broadcast %parallel_loop3A_280 : i32 to vector<16xi32>
        %parallel_loop3A_282 = arith.addi %broadcast_in_dim3A_73, %parallel_loop3A_281 : vector<16xi32>
        %parallel_loop3A_283 = arith.select %parallel_loop3A_279, %parallel_loop3A_282, %broadcast_in_dim3A_73 : vector<16xi1>, vector<16xi32>
        %parallel_loop3A_284 = vector.shape_cast %parallel_loop3A_283 : vector<16xi32> to vector<16x1xi32>
        %parallel_loop3A_285 = vector.shape_cast %parallel_loop3A_284 : vector<16x1xi32> to vector<16xi32>
        %parallel_loop3A_286 = tpu.dynamic_gather %parallel_loop3A_166[%parallel_loop3A_285] in [0] : vector<16xi32>, vector<16xi32> -> vector<16xi32>
        %parallel_loop3A_287 = arith.addi %parallel_loop3A_286, %iota3A : vector<16xi32>
        %parallel_loop3A_288 = arith.constant 0 : i32
        %parallel_loop3A_289 = vector.broadcast %parallel_loop3A_288 : i32 to vector<16xi32>
        %parallel_loop3A_290 = arith.cmpi slt, %broadcast_in_dim3A_75, %parallel_loop3A_289 : vector<16xi32>
        %parallel_loop3A_291 = arith.constant 16 : i32
        %parallel_loop3A_292 = vector.broadcast %parallel_loop3A_291 : i32 to vector<16xi32>
        %parallel_loop3A_293 = arith.addi %broadcast_in_dim3A_75, %parallel_loop3A_292 : vector<16xi32>
        %parallel_loop3A_294 = arith.select %parallel_loop3A_290, %parallel_loop3A_293, %broadcast_in_dim3A_75 : vector<16xi1>, vector<16xi32>
        %parallel_loop3A_295 = vector.shape_cast %parallel_loop3A_294 : vector<16xi32> to vector<16x1xi32>
        %parallel_loop3A_296 = vector.shape_cast %parallel_loop3A_295 : vector<16x1xi32> to vector<16xi32>
        %parallel_loop3A_297 = tpu.dynamic_gather %parallel_loop3A_166[%parallel_loop3A_296] in [0] : vector<16xi32>, vector<16xi32> -> vector<16xi32>
        %parallel_loop3A_298 = arith.addi %parallel_loop3A_297, %iota3A : vector<16xi32>
        %parallel_loop3A_299 = arith.constant 0 : i32
        %parallel_loop3A_300 = vector.broadcast %parallel_loop3A_299 : i32 to vector<16xi32>
        %parallel_loop3A_301 = arith.cmpi slt, %broadcast_in_dim3A_77, %parallel_loop3A_300 : vector<16xi32>
        %parallel_loop3A_302 = arith.constant 16 : i32
        %parallel_loop3A_303 = vector.broadcast %parallel_loop3A_302 : i32 to vector<16xi32>
        %parallel_loop3A_304 = arith.addi %broadcast_in_dim3A_77, %parallel_loop3A_303 : vector<16xi32>
        %parallel_loop3A_305 = arith.select %parallel_loop3A_301, %parallel_loop3A_304, %broadcast_in_dim3A_77 : vector<16xi1>, vector<16xi32>
        %parallel_loop3A_306 = vector.shape_cast %parallel_loop3A_305 : vector<16xi32> to vector<16x1xi32>
        %parallel_loop3A_307 = vector.shape_cast %parallel_loop3A_306 : vector<16x1xi32> to vector<16xi32>
        %parallel_loop3A_308 = tpu.dynamic_gather %parallel_loop3A_166[%parallel_loop3A_307] in [0] : vector<16xi32>, vector<16xi32> -> vector<16xi32>
        %parallel_loop3A_309 = arith.addi %parallel_loop3A_308, %iota3A : vector<16xi32>
        %parallel_loop3A_310 = arith.constant 0 : i32
        %parallel_loop3A_311 = vector.broadcast %parallel_loop3A_310 : i32 to vector<16xi32>
        %parallel_loop3A_312 = arith.cmpi slt, %broadcast_in_dim3A_79, %parallel_loop3A_311 : vector<16xi32>
        %parallel_loop3A_313 = arith.constant 16 : i32
        %parallel_loop3A_314 = vector.broadcast %parallel_loop3A_313 : i32 to vector<16xi32>
        %parallel_loop3A_315 = arith.addi %broadcast_in_dim3A_79, %parallel_loop3A_314 : vector<16xi32>
        %parallel_loop3A_316 = arith.select %parallel_loop3A_312, %parallel_loop3A_315, %broadcast_in_dim3A_79 : vector<16xi1>, vector<16xi32>
        %parallel_loop3A_317 = vector.shape_cast %parallel_loop3A_316 : vector<16xi32> to vector<16x1xi32>
        %parallel_loop3A_318 = vector.shape_cast %parallel_loop3A_317 : vector<16x1xi32> to vector<16xi32>
        %parallel_loop3A_319 = tpu.dynamic_gather %parallel_loop3A_166[%parallel_loop3A_318] in [0] : vector<16xi32>, vector<16xi32> -> vector<16xi32>
        %parallel_loop3A_320 = arith.addi %parallel_loop3A_319, %iota3A : vector<16xi32>
        %parallel_loop3A_321 = arith.constant 0 : i32
        %parallel_loop3A_322 = vector.broadcast %parallel_loop3A_321 : i32 to vector<16xi32>
        %parallel_loop3A_323 = arith.cmpi slt, %broadcast_in_dim3A_81, %parallel_loop3A_322 : vector<16xi32>
        %parallel_loop3A_324 = arith.constant 16 : i32
        %parallel_loop3A_325 = vector.broadcast %parallel_loop3A_324 : i32 to vector<16xi32>
        %parallel_loop3A_326 = arith.addi %broadcast_in_dim3A_81, %parallel_loop3A_325 : vector<16xi32>
        %parallel_loop3A_327 = arith.select %parallel_loop3A_323, %parallel_loop3A_326, %broadcast_in_dim3A_81 : vector<16xi1>, vector<16xi32>
        %parallel_loop3A_328 = vector.shape_cast %parallel_loop3A_327 : vector<16xi32> to vector<16x1xi32>
        %parallel_loop3A_329 = vector.shape_cast %parallel_loop3A_328 : vector<16x1xi32> to vector<16xi32>
        %parallel_loop3A_330 = tpu.dynamic_gather %parallel_loop3A_166[%parallel_loop3A_329] in [0] : vector<16xi32>, vector<16xi32> -> vector<16xi32>
        %parallel_loop3A_331 = arith.addi %parallel_loop3A_330, %iota3A : vector<16xi32>
        %parallel_loop3A_332 = arith.constant 0 : i32
        %parallel_loop3A_333 = vector.broadcast %parallel_loop3A_332 : i32 to vector<16xi32>
        %parallel_loop3A_334 = arith.cmpi slt, %broadcast_in_dim3A_83, %parallel_loop3A_333 : vector<16xi32>
        %parallel_loop3A_335 = arith.constant 16 : i32
        %parallel_loop3A_336 = vector.broadcast %parallel_loop3A_335 : i32 to vector<16xi32>
        %parallel_loop3A_337 = arith.addi %broadcast_in_dim3A_83, %parallel_loop3A_336 : vector<16xi32>
        %parallel_loop3A_338 = arith.select %parallel_loop3A_334, %parallel_loop3A_337, %broadcast_in_dim3A_83 : vector<16xi1>, vector<16xi32>
        %parallel_loop3A_339 = vector.shape_cast %parallel_loop3A_338 : vector<16xi32> to vector<16x1xi32>
        %parallel_loop3A_340 = vector.shape_cast %parallel_loop3A_339 : vector<16x1xi32> to vector<16xi32>
        %parallel_loop3A_341 = tpu.dynamic_gather %parallel_loop3A_166[%parallel_loop3A_340] in [0] : vector<16xi32>, vector<16xi32> -> vector<16xi32>
        %parallel_loop3A_342 = arith.addi %parallel_loop3A_341, %iota3A : vector<16xi32>
        %parallel_loop3A_343 = arith.constant 0 : i32
        %parallel_loop3A_344 = tpu.memref_slice %arg5[%parallel_loop3A_343] : memref<16384xi32, #tpu.memory_space<vmem>> -> memref<16384xi32, #tpu.memory_space<vmem>>
        %parallel_loop3A_345 = tpu.vector_load_idx %parallel_loop3A_344[%parallel_loop3A_177] : memref<16384xi32, #tpu.memory_space<vmem>>[vector<16xi32>], vector<16xi32>,
        %parallel_loop3A_346 = vector.bitcast %parallel_loop3A_345 : vector<16xi32> to vector<32xbf16>
        %parallel_loop3A_347 = arith.constant 0 : i32
        %parallel_loop3A_348 = tpu.memref_slice %arg5[%parallel_loop3A_347] : memref<16384xi32, #tpu.memory_space<vmem>> -> memref<16384xi32, #tpu.memory_space<vmem>>
        %parallel_loop3A_349 = tpu.vector_load_idx %parallel_loop3A_348[%parallel_loop3A_188] : memref<16384xi32, #tpu.memory_space<vmem>>[vector<16xi32>], vector<16xi32>,
        %parallel_loop3A_350 = vector.bitcast %parallel_loop3A_349 : vector<16xi32> to vector<32xbf16>
        %parallel_loop3A_351 = arith.constant 0 : i32
        %parallel_loop3A_352 = tpu.memref_slice %arg5[%parallel_loop3A_351] : memref<16384xi32, #tpu.memory_space<vmem>> -> memref<16384xi32, #tpu.memory_space<vmem>>
        %parallel_loop3A_353 = tpu.vector_load_idx %parallel_loop3A_352[%parallel_loop3A_199] : memref<16384xi32, #tpu.memory_space<vmem>>[vector<16xi32>], vector<16xi32>,
        %parallel_loop3A_354 = vector.bitcast %parallel_loop3A_353 : vector<16xi32> to vector<32xbf16>
        %parallel_loop3A_355 = arith.constant 0 : i32
        %parallel_loop3A_356 = tpu.memref_slice %arg5[%parallel_loop3A_355] : memref<16384xi32, #tpu.memory_space<vmem>> -> memref<16384xi32, #tpu.memory_space<vmem>>
        %parallel_loop3A_357 = tpu.vector_load_idx %parallel_loop3A_356[%parallel_loop3A_210] : memref<16384xi32, #tpu.memory_space<vmem>>[vector<16xi32>], vector<16xi32>,
        %parallel_loop3A_358 = vector.bitcast %parallel_loop3A_357 : vector<16xi32> to vector<32xbf16>
        %parallel_loop3A_359 = arith.constant 0 : i32
        %parallel_loop3A_360 = tpu.memref_slice %arg5[%parallel_loop3A_359] : memref<16384xi32, #tpu.memory_space<vmem>> -> memref<16384xi32, #tpu.memory_space<vmem>>
        %parallel_loop3A_361 = tpu.vector_load_idx %parallel_loop3A_360[%parallel_loop3A_221] : memref<16384xi32, #tpu.memory_space<vmem>>[vector<16xi32>], vector<16xi32>,
        %parallel_loop3A_362 = vector.bitcast %parallel_loop3A_361 : vector<16xi32> to vector<32xbf16>
        %parallel_loop3A_363 = arith.constant 0 : i32
        %parallel_loop3A_364 = tpu.memref_slice %arg5[%parallel_loop3A_363] : memref<16384xi32, #tpu.memory_space<vmem>> -> memref<16384xi32, #tpu.memory_space<vmem>>
        %parallel_loop3A_365 = tpu.vector_load_idx %parallel_loop3A_364[%parallel_loop3A_232] : memref<16384xi32, #tpu.memory_space<vmem>>[vector<16xi32>], vector<16xi32>,
        %parallel_loop3A_366 = vector.bitcast %parallel_loop3A_365 : vector<16xi32> to vector<32xbf16>
        %parallel_loop3A_367 = arith.constant 0 : i32
        %parallel_loop3A_368 = tpu.memref_slice %arg5[%parallel_loop3A_367] : memref<16384xi32, #tpu.memory_space<vmem>> -> memref<16384xi32, #tpu.memory_space<vmem>>
        %parallel_loop3A_369 = tpu.vector_load_idx %parallel_loop3A_368[%parallel_loop3A_243] : memref<16384xi32, #tpu.memory_space<vmem>>[vector<16xi32>], vector<16xi32>,
        %parallel_loop3A_370 = vector.bitcast %parallel_loop3A_369 : vector<16xi32> to vector<32xbf16>
        %parallel_loop3A_371 = arith.constant 0 : i32
        %parallel_loop3A_372 = tpu.memref_slice %arg5[%parallel_loop3A_371] : memref<16384xi32, #tpu.memory_space<vmem>> -> memref<16384xi32, #tpu.memory_space<vmem>>
        %parallel_loop3A_373 = tpu.vector_load_idx %parallel_loop3A_372[%parallel_loop3A_254] : memref<16384xi32, #tpu.memory_space<vmem>>[vector<16xi32>], vector<16xi32>,
        %parallel_loop3A_374 = vector.bitcast %parallel_loop3A_373 : vector<16xi32> to vector<32xbf16>
        %parallel_loop3A_375 = arith.constant 0 : i32
        %parallel_loop3A_376 = tpu.memref_slice %arg5[%parallel_loop3A_375] : memref<16384xi32, #tpu.memory_space<vmem>> -> memref<16384xi32, #tpu.memory_space<vmem>>
        %parallel_loop3A_377 = tpu.vector_load_idx %parallel_loop3A_376[%parallel_loop3A_265] : memref<16384xi32, #tpu.memory_space<vmem>>[vector<16xi32>], vector<16xi32>,
        %parallel_loop3A_378 = vector.bitcast %parallel_loop3A_377 : vector<16xi32> to vector<32xbf16>
        %parallel_loop3A_379 = arith.constant 0 : i32
        %parallel_loop3A_380 = tpu.memref_slice %arg5[%parallel_loop3A_379] : memref<16384xi32, #tpu.memory_space<vmem>> -> memref<16384xi32, #tpu.memory_space<vmem>>
        %parallel_loop3A_381 = tpu.vector_load_idx %parallel_loop3A_380[%parallel_loop3A_276] : memref<16384xi32, #tpu.memory_space<vmem>>[vector<16xi32>], vector<16xi32>,
        %parallel_loop3A_382 = vector.bitcast %parallel_loop3A_381 : vector<16xi32> to vector<32xbf16>
        %parallel_loop3A_383 = arith.constant 0 : i32
        %parallel_loop3A_384 = tpu.memref_slice %arg5[%parallel_loop3A_383] : memref<16384xi32, #tpu.memory_space<vmem>> -> memref<16384xi32, #tpu.memory_space<vmem>>
        %parallel_loop3A_385 = tpu.vector_load_idx %parallel_loop3A_384[%parallel_loop3A_287] : memref<16384xi32, #tpu.memory_space<vmem>>[vector<16xi32>], vector<16xi32>,
        %parallel_loop3A_386 = vector.bitcast %parallel_loop3A_385 : vector<16xi32> to vector<32xbf16>
        %parallel_loop3A_387 = arith.constant 0 : i32
        %parallel_loop3A_388 = tpu.memref_slice %arg5[%parallel_loop3A_387] : memref<16384xi32, #tpu.memory_space<vmem>> -> memref<16384xi32, #tpu.memory_space<vmem>>
        %parallel_loop3A_389 = tpu.vector_load_idx %parallel_loop3A_388[%parallel_loop3A_298] : memref<16384xi32, #tpu.memory_space<vmem>>[vector<16xi32>], vector<16xi32>,
        %parallel_loop3A_390 = vector.bitcast %parallel_loop3A_389 : vector<16xi32> to vector<32xbf16>
        %parallel_loop3A_391 = arith.constant 0 : i32
        %parallel_loop3A_392 = tpu.memref_slice %arg5[%parallel_loop3A_391] : memref<16384xi32, #tpu.memory_space<vmem>> -> memref<16384xi32, #tpu.memory_space<vmem>>
        %parallel_loop3A_393 = tpu.vector_load_idx %parallel_loop3A_392[%parallel_loop3A_309] : memref<16384xi32, #tpu.memory_space<vmem>>[vector<16xi32>], vector<16xi32>,
        %parallel_loop3A_394 = vector.bitcast %parallel_loop3A_393 : vector<16xi32> to vector<32xbf16>
        %parallel_loop3A_395 = arith.constant 0 : i32
        %parallel_loop3A_396 = tpu.memref_slice %arg5[%parallel_loop3A_395] : memref<16384xi32, #tpu.memory_space<vmem>> -> memref<16384xi32, #tpu.memory_space<vmem>>
        %parallel_loop3A_397 = tpu.vector_load_idx %parallel_loop3A_396[%parallel_loop3A_320] : memref<16384xi32, #tpu.memory_space<vmem>>[vector<16xi32>], vector<16xi32>,
        %parallel_loop3A_398 = vector.bitcast %parallel_loop3A_397 : vector<16xi32> to vector<32xbf16>
        %parallel_loop3A_399 = arith.constant 0 : i32
        %parallel_loop3A_400 = tpu.memref_slice %arg5[%parallel_loop3A_399] : memref<16384xi32, #tpu.memory_space<vmem>> -> memref<16384xi32, #tpu.memory_space<vmem>>
        %parallel_loop3A_401 = tpu.vector_load_idx %parallel_loop3A_400[%parallel_loop3A_331] : memref<16384xi32, #tpu.memory_space<vmem>>[vector<16xi32>], vector<16xi32>,
        %parallel_loop3A_402 = vector.bitcast %parallel_loop3A_401 : vector<16xi32> to vector<32xbf16>
        %parallel_loop3A_403 = arith.constant 0 : i32
        %parallel_loop3A_404 = tpu.memref_slice %arg5[%parallel_loop3A_403] : memref<16384xi32, #tpu.memory_space<vmem>> -> memref<16384xi32, #tpu.memory_space<vmem>>
        %parallel_loop3A_405 = tpu.vector_load_idx %parallel_loop3A_404[%parallel_loop3A_342] : memref<16384xi32, #tpu.memory_space<vmem>>[vector<16xi32>], vector<16xi32>,
        %parallel_loop3A_406 = vector.bitcast %parallel_loop3A_405 : vector<16xi32> to vector<32xbf16>
        %parallel_loop3A_407 = arith.addf %parallel_loop3A_346, %parallel_loop3A_350 : vector<32xbf16>
        %parallel_loop3A_408 = arith.addf %parallel_loop3A_354, %parallel_loop3A_358 : vector<32xbf16>
        %parallel_loop3A_409 = arith.addf %parallel_loop3A_362, %parallel_loop3A_366 : vector<32xbf16>
        %parallel_loop3A_410 = arith.addf %parallel_loop3A_370, %parallel_loop3A_374 : vector<32xbf16>
        %parallel_loop3A_411 = arith.addf %parallel_loop3A_378, %parallel_loop3A_382 : vector<32xbf16>
        %parallel_loop3A_412 = arith.addf %parallel_loop3A_386, %parallel_loop3A_390 : vector<32xbf16>
        %parallel_loop3A_413 = arith.addf %parallel_loop3A_394, %parallel_loop3A_398 : vector<32xbf16>
        %parallel_loop3A_414 = arith.addf %parallel_loop3A_402, %parallel_loop3A_406 : vector<32xbf16>
        %parallel_loop3A_415 = arith.addf %parallel_loop3A_407, %parallel_loop3A_408 : vector<32xbf16>
        %parallel_loop3A_416 = arith.addf %parallel_loop3A_409, %parallel_loop3A_410 : vector<32xbf16>
        %parallel_loop3A_417 = arith.addf %parallel_loop3A_411, %parallel_loop3A_412 : vector<32xbf16>
        %parallel_loop3A_418 = arith.addf %parallel_loop3A_413, %parallel_loop3A_414 : vector<32xbf16>
        %parallel_loop3A_419 = arith.addf %parallel_loop3A_415, %parallel_loop3A_416 : vector<32xbf16>
        %parallel_loop3A_420 = arith.addf %parallel_loop3A_417, %parallel_loop3A_418 : vector<32xbf16>
        %parallel_loop3A_421 = arith.addf %parallel_loop3A_419, %parallel_loop3A_420 : vector<32xbf16>
        %parallel_loop3A_422 = tpu.unpack_subelements %parallel_loop3A_421, 0 {pack_format = #tpu.pack_format<interleaved>} : vector<32xbf16> -> vector<16xf32>
        %parallel_loop3A_423 = tpu.unpack_subelements %parallel_loop3A_421, 1 {pack_format = #tpu.pack_format<interleaved>} : vector<32xbf16> -> vector<16xf32>
        %parallel_loop3A_424 = arith.constant 128 : i32
        %parallel_loop3A_425 = arith.muli %parallel_loop3A_156, %parallel_loop3A_424 : i32
        %parallel_loop3A_426 = arith.addi %mul3A_141, %parallel_loop3A_425 : i32
        %parallel_loop3A_427 = arith.constant 0 : i32
        %parallel_loop3A_428 = arith.addi %parallel_loop3A_426, %parallel_loop3A_427 : i32
        %parallel_loop3A_429 = arith.index_cast %parallel_loop3A_428 : i32 to index
        %parallel_loop3A_430 = tpu.vector_load %arg7[%parallel_loop3A_429] {strides = array<i32>} : memref<28672xf32, #tpu.memory_space<vmem>>, vector<16xf32>,
        tpu.vector_store %arg7[%parallel_loop3A_429], %parallel_loop3A_422 {strides = array<i32>} : memref<28672xf32, #tpu.memory_space<vmem>>, vector<16xf32>,
        %parallel_loop3A_431 = arith.constant 64 : i32
        %parallel_loop3A_432 = arith.addi %parallel_loop3A_428, %parallel_loop3A_431 : i32
        %parallel_loop3A_433 = arith.index_cast %parallel_loop3A_432 : i32 to index
        %parallel_loop3A_434 = tpu.vector_load %arg7[%parallel_loop3A_433] {strides = array<i32>} : memref<28672xf32, #tpu.memory_space<vmem>>, vector<16xf32>,
        tpu.vector_store %arg7[%parallel_loop3A_433], %parallel_loop3A_423 {strides = array<i32>} : memref<28672xf32, #tpu.memory_space<vmem>>, vector<16xf32>,
        %parallel_loop3A_435 = arith.constant 16 : i32
        %parallel_loop3A_436 = tpu.memref_slice %arg5[%parallel_loop3A_435] : memref<16384xi32, #tpu.memory_space<vmem>> -> memref<16368xi32, #tpu.memory_space<vmem>>
        %parallel_loop3A_437 = tpu.vector_load_idx %parallel_loop3A_436[%parallel_loop3A_177] : memref<16368xi32, #tpu.memory_space<vmem>>[vector<16xi32>], vector<16xi32>,
        %parallel_loop3A_438 = vector.bitcast %parallel_loop3A_437 : vector<16xi32> to vector<32xbf16>
        %parallel_loop3A_439 = arith.constant 16 : i32
        %parallel_loop3A_440 = tpu.memref_slice %arg5[%parallel_loop3A_439] : memref<16384xi32, #tpu.memory_space<vmem>> -> memref<16368xi32, #tpu.memory_space<vmem>>
        %parallel_loop3A_441 = tpu.vector_load_idx %parallel_loop3A_440[%parallel_loop3A_188] : memref<16368xi32, #tpu.memory_space<vmem>>[vector<16xi32>], vector<16xi32>,
        %parallel_loop3A_442 = vector.bitcast %parallel_loop3A_441 : vector<16xi32> to vector<32xbf16>
        %parallel_loop3A_443 = arith.constant 16 : i32
        %parallel_loop3A_444 = tpu.memref_slice %arg5[%parallel_loop3A_443] : memref<16384xi32, #tpu.memory_space<vmem>> -> memref<16368xi32, #tpu.memory_space<vmem>>
        %parallel_loop3A_445 = tpu.vector_load_idx %parallel_loop3A_444[%parallel_loop3A_199] : memref<16368xi32, #tpu.memory_space<vmem>>[vector<16xi32>], vector<16xi32>,
        %parallel_loop3A_446 = vector.bitcast %parallel_loop3A_445 : vector<16xi32> to vector<32xbf16>
        %parallel_loop3A_447 = arith.constant 16 : i32
        %parallel_loop3A_448 = tpu.memref_slice %arg5[%parallel_loop3A_447] : memref<16384xi32, #tpu.memory_space<vmem>> -> memref<16368xi32, #tpu.memory_space<vmem>>
        %parallel_loop3A_449 = tpu.vector_load_idx %parallel_loop3A_448[%parallel_loop3A_210] : memref<16368xi32, #tpu.memory_space<vmem>>[vector<16xi32>], vector<16xi32>,
        %parallel_loop3A_450 = vector.bitcast %parallel_loop3A_449 : vector<16xi32> to vector<32xbf16>
        %parallel_loop3A_451 = arith.constant 16 : i32
        %parallel_loop3A_452 = tpu.memref_slice %arg5[%parallel_loop3A_451] : memref<16384xi32, #tpu.memory_space<vmem>> -> memref<16368xi32, #tpu.memory_space<vmem>>
        %parallel_loop3A_453 = tpu.vector_load_idx %parallel_loop3A_452[%parallel_loop3A_221] : memref<16368xi32, #tpu.memory_space<vmem>>[vector<16xi32>], vector<16xi32>,
        %parallel_loop3A_454 = vector.bitcast %parallel_loop3A_453 : vector<16xi32> to vector<32xbf16>
        %parallel_loop3A_455 = arith.constant 16 : i32
        %parallel_loop3A_456 = tpu.memref_slice %arg5[%parallel_loop3A_455] : memref<16384xi32, #tpu.memory_space<vmem>> -> memref<16368xi32, #tpu.memory_space<vmem>>
        %parallel_loop3A_457 = tpu.vector_load_idx %parallel_loop3A_456[%parallel_loop3A_232] : memref<16368xi32, #tpu.memory_space<vmem>>[vector<16xi32>], vector<16xi32>,
        %parallel_loop3A_458 = vector.bitcast %parallel_loop3A_457 : vector<16xi32> to vector<32xbf16>
        %parallel_loop3A_459 = arith.constant 16 : i32
        %parallel_loop3A_460 = tpu.memref_slice %arg5[%parallel_loop3A_459] : memref<16384xi32, #tpu.memory_space<vmem>> -> memref<16368xi32, #tpu.memory_space<vmem>>
        %parallel_loop3A_461 = tpu.vector_load_idx %parallel_loop3A_460[%parallel_loop3A_243] : memref<16368xi32, #tpu.memory_space<vmem>>[vector<16xi32>], vector<16xi32>,
        %parallel_loop3A_462 = vector.bitcast %parallel_loop3A_461 : vector<16xi32> to vector<32xbf16>
        %parallel_loop3A_463 = arith.constant 16 : i32
        %parallel_loop3A_464 = tpu.memref_slice %arg5[%parallel_loop3A_463] : memref<16384xi32, #tpu.memory_space<vmem>> -> memref<16368xi32, #tpu.memory_space<vmem>>
        %parallel_loop3A_465 = tpu.vector_load_idx %parallel_loop3A_464[%parallel_loop3A_254] : memref<16368xi32, #tpu.memory_space<vmem>>[vector<16xi32>], vector<16xi32>,
        %parallel_loop3A_466 = vector.bitcast %parallel_loop3A_465 : vector<16xi32> to vector<32xbf16>
        %parallel_loop3A_467 = arith.constant 16 : i32
        %parallel_loop3A_468 = tpu.memref_slice %arg5[%parallel_loop3A_467] : memref<16384xi32, #tpu.memory_space<vmem>> -> memref<16368xi32, #tpu.memory_space<vmem>>
        %parallel_loop3A_469 = tpu.vector_load_idx %parallel_loop3A_468[%parallel_loop3A_265] : memref<16368xi32, #tpu.memory_space<vmem>>[vector<16xi32>], vector<16xi32>,
        %parallel_loop3A_470 = vector.bitcast %parallel_loop3A_469 : vector<16xi32> to vector<32xbf16>
        %parallel_loop3A_471 = arith.constant 16 : i32
        %parallel_loop3A_472 = tpu.memref_slice %arg5[%parallel_loop3A_471] : memref<16384xi32, #tpu.memory_space<vmem>> -> memref<16368xi32, #tpu.memory_space<vmem>>
        %parallel_loop3A_473 = tpu.vector_load_idx %parallel_loop3A_472[%parallel_loop3A_276] : memref<16368xi32, #tpu.memory_space<vmem>>[vector<16xi32>], vector<16xi32>,
        %parallel_loop3A_474 = vector.bitcast %parallel_loop3A_473 : vector<16xi32> to vector<32xbf16>
        %parallel_loop3A_475 = arith.constant 16 : i32
        %parallel_loop3A_476 = tpu.memref_slice %arg5[%parallel_loop3A_475] : memref<16384xi32, #tpu.memory_space<vmem>> -> memref<16368xi32, #tpu.memory_space<vmem>>
        %parallel_loop3A_477 = tpu.vector_load_idx %parallel_loop3A_476[%parallel_loop3A_287] : memref<16368xi32, #tpu.memory_space<vmem>>[vector<16xi32>], vector<16xi32>,
        %parallel_loop3A_478 = vector.bitcast %parallel_loop3A_477 : vector<16xi32> to vector<32xbf16>
        %parallel_loop3A_479 = arith.constant 16 : i32
        %parallel_loop3A_480 = tpu.memref_slice %arg5[%parallel_loop3A_479] : memref<16384xi32, #tpu.memory_space<vmem>> -> memref<16368xi32, #tpu.memory_space<vmem>>
        %parallel_loop3A_481 = tpu.vector_load_idx %parallel_loop3A_480[%parallel_loop3A_298] : memref<16368xi32, #tpu.memory_space<vmem>>[vector<16xi32>], vector<16xi32>,
        %parallel_loop3A_482 = vector.bitcast %parallel_loop3A_481 : vector<16xi32> to vector<32xbf16>
        %parallel_loop3A_483 = arith.constant 16 : i32
        %parallel_loop3A_484 = tpu.memref_slice %arg5[%parallel_loop3A_483] : memref<16384xi32, #tpu.memory_space<vmem>> -> memref<16368xi32, #tpu.memory_space<vmem>>
        %parallel_loop3A_485 = tpu.vector_load_idx %parallel_loop3A_484[%parallel_loop3A_309] : memref<16368xi32, #tpu.memory_space<vmem>>[vector<16xi32>], vector<16xi32>,
        %parallel_loop3A_486 = vector.bitcast %parallel_loop3A_485 : vector<16xi32> to vector<32xbf16>
        %parallel_loop3A_487 = arith.constant 16 : i32
        %parallel_loop3A_488 = tpu.memref_slice %arg5[%parallel_loop3A_487] : memref<16384xi32, #tpu.memory_space<vmem>> -> memref<16368xi32, #tpu.memory_space<vmem>>
        %parallel_loop3A_489 = tpu.vector_load_idx %parallel_loop3A_488[%parallel_loop3A_320] : memref<16368xi32, #tpu.memory_space<vmem>>[vector<16xi32>], vector<16xi32>,
        %parallel_loop3A_490 = vector.bitcast %parallel_loop3A_489 : vector<16xi32> to vector<32xbf16>
        %parallel_loop3A_491 = arith.constant 16 : i32
        %parallel_loop3A_492 = tpu.memref_slice %arg5[%parallel_loop3A_491] : memref<16384xi32, #tpu.memory_space<vmem>> -> memref<16368xi32, #tpu.memory_space<vmem>>
        %parallel_loop3A_493 = tpu.vector_load_idx %parallel_loop3A_492[%parallel_loop3A_331] : memref<16368xi32, #tpu.memory_space<vmem>>[vector<16xi32>], vector<16xi32>,
        %parallel_loop3A_494 = vector.bitcast %parallel_loop3A_493 : vector<16xi32> to vector<32xbf16>
        %parallel_loop3A_495 = arith.constant 16 : i32
        %parallel_loop3A_496 = tpu.memref_slice %arg5[%parallel_loop3A_495] : memref<16384xi32, #tpu.memory_space<vmem>> -> memref<16368xi32, #tpu.memory_space<vmem>>
        %parallel_loop3A_497 = tpu.vector_load_idx %parallel_loop3A_496[%parallel_loop3A_342] : memref<16368xi32, #tpu.memory_space<vmem>>[vector<16xi32>], vector<16xi32>,
        %parallel_loop3A_498 = vector.bitcast %parallel_loop3A_497 : vector<16xi32> to vector<32xbf16>
        %parallel_loop3A_499 = arith.addf %parallel_loop3A_438, %parallel_loop3A_442 : vector<32xbf16>
        %parallel_loop3A_500 = arith.addf %parallel_loop3A_446, %parallel_loop3A_450 : vector<32xbf16>
        %parallel_loop3A_501 = arith.addf %parallel_loop3A_454, %parallel_loop3A_458 : vector<32xbf16>
        %parallel_loop3A_502 = arith.addf %parallel_loop3A_462, %parallel_loop3A_466 : vector<32xbf16>
        %parallel_loop3A_503 = arith.addf %parallel_loop3A_470, %parallel_loop3A_474 : vector<32xbf16>
        %parallel_loop3A_504 = arith.addf %parallel_loop3A_478, %parallel_loop3A_482 : vector<32xbf16>
        %parallel_loop3A_505 = arith.addf %parallel_loop3A_486, %parallel_loop3A_490 : vector<32xbf16>
        %parallel_loop3A_506 = arith.addf %parallel_loop3A_494, %parallel_loop3A_498 : vector<32xbf16>
        %parallel_loop3A_507 = arith.addf %parallel_loop3A_499, %parallel_loop3A_500 : vector<32xbf16>
        %parallel_loop3A_508 = arith.addf %parallel_loop3A_501, %parallel_loop3A_502 : vector<32xbf16>
        %parallel_loop3A_509 = arith.addf %parallel_loop3A_503, %parallel_loop3A_504 : vector<32xbf16>
        %parallel_loop3A_510 = arith.addf %parallel_loop3A_505, %parallel_loop3A_506 : vector<32xbf16>
        %parallel_loop3A_511 = arith.addf %parallel_loop3A_507, %parallel_loop3A_508 : vector<32xbf16>
        %parallel_loop3A_512 = arith.addf %parallel_loop3A_509, %parallel_loop3A_510 : vector<32xbf16>
        %parallel_loop3A_513 = arith.addf %parallel_loop3A_511, %parallel_loop3A_512 : vector<32xbf16>
        %parallel_loop3A_514 = tpu.unpack_subelements %parallel_loop3A_513, 0 {pack_format = #tpu.pack_format<interleaved>} : vector<32xbf16> -> vector<16xf32>
        %parallel_loop3A_515 = tpu.unpack_subelements %parallel_loop3A_513, 1 {pack_format = #tpu.pack_format<interleaved>} : vector<32xbf16> -> vector<16xf32>
        %parallel_loop3A_516 = arith.constant 128 : i32
        %parallel_loop3A_517 = arith.muli %parallel_loop3A_156, %parallel_loop3A_516 : i32
        %parallel_loop3A_518 = arith.addi %mul3A_141, %parallel_loop3A_517 : i32
        %parallel_loop3A_519 = arith.constant 16 : i32
        %parallel_loop3A_520 = arith.addi %parallel_loop3A_518, %parallel_loop3A_519 : i32
        %parallel_loop3A_521 = arith.index_cast %parallel_loop3A_520 : i32 to index
        %parallel_loop3A_522 = tpu.vector_load %arg7[%parallel_loop3A_521] {strides = array<i32>} : memref<28672xf32, #tpu.memory_space<vmem>>, vector<16xf32>,
        tpu.vector_store %arg7[%parallel_loop3A_521], %parallel_loop3A_514 {strides = array<i32>} : memref<28672xf32, #tpu.memory_space<vmem>>, vector<16xf32>,
        %parallel_loop3A_523 = arith.constant 64 : i32
        %parallel_loop3A_524 = arith.addi %parallel_loop3A_520, %parallel_loop3A_523 : i32
        %parallel_loop3A_525 = arith.index_cast %parallel_loop3A_524 : i32 to index
        %parallel_loop3A_526 = tpu.vector_load %arg7[%parallel_loop3A_525] {strides = array<i32>} : memref<28672xf32, #tpu.memory_space<vmem>>, vector<16xf32>,
        tpu.vector_store %arg7[%parallel_loop3A_525], %parallel_loop3A_515 {strides = array<i32>} : memref<28672xf32, #tpu.memory_space<vmem>>, vector<16xf32>,
        %parallel_loop3A_527 = arith.constant 32 : i32
        %parallel_loop3A_528 = tpu.memref_slice %arg5[%parallel_loop3A_527] : memref<16384xi32, #tpu.memory_space<vmem>> -> memref<16352xi32, #tpu.memory_space<vmem>>
        %parallel_loop3A_529 = tpu.vector_load_idx %parallel_loop3A_528[%parallel_loop3A_177] : memref<16352xi32, #tpu.memory_space<vmem>>[vector<16xi32>], vector<16xi32>,
        %parallel_loop3A_530 = vector.bitcast %parallel_loop3A_529 : vector<16xi32> to vector<32xbf16>
        %parallel_loop3A_531 = arith.constant 32 : i32
        %parallel_loop3A_532 = tpu.memref_slice %arg5[%parallel_loop3A_531] : memref<16384xi32, #tpu.memory_space<vmem>> -> memref<16352xi32, #tpu.memory_space<vmem>>
        %parallel_loop3A_533 = tpu.vector_load_idx %parallel_loop3A_532[%parallel_loop3A_188] : memref<16352xi32, #tpu.memory_space<vmem>>[vector<16xi32>], vector<16xi32>,
        %parallel_loop3A_534 = vector.bitcast %parallel_loop3A_533 : vector<16xi32> to vector<32xbf16>
        %parallel_loop3A_535 = arith.constant 32 : i32
        %parallel_loop3A_536 = tpu.memref_slice %arg5[%parallel_loop3A_535] : memref<16384xi32, #tpu.memory_space<vmem>> -> memref<16352xi32, #tpu.memory_space<vmem>>
        %parallel_loop3A_537 = tpu.vector_load_idx %parallel_loop3A_536[%parallel_loop3A_199] : memref<16352xi32, #tpu.memory_space<vmem>>[vector<16xi32>], vector<16xi32>,
        %parallel_loop3A_538 = vector.bitcast %parallel_loop3A_537 : vector<16xi32> to vector<32xbf16>
        %parallel_loop3A_539 = arith.constant 32 : i32
        %parallel_loop3A_540 = tpu.memref_slice %arg5[%parallel_loop3A_539] : memref<16384xi32, #tpu.memory_space<vmem>> -> memref<16352xi32, #tpu.memory_space<vmem>>
        %parallel_loop3A_541 = tpu.vector_load_idx %parallel_loop3A_540[%parallel_loop3A_210] : memref<16352xi32, #tpu.memory_space<vmem>>[vector<16xi32>], vector<16xi32>,
        %parallel_loop3A_542 = vector.bitcast %parallel_loop3A_541 : vector<16xi32> to vector<32xbf16>
        %parallel_loop3A_543 = arith.constant 32 : i32
        %parallel_loop3A_544 = tpu.memref_slice %arg5[%parallel_loop3A_543] : memref<16384xi32, #tpu.memory_space<vmem>> -> memref<16352xi32, #tpu.memory_space<vmem>>
        %parallel_loop3A_545 = tpu.vector_load_idx %parallel_loop3A_544[%parallel_loop3A_221] : memref<16352xi32, #tpu.memory_space<vmem>>[vector<16xi32>], vector<16xi32>,
        %parallel_loop3A_546 = vector.bitcast %parallel_loop3A_545 : vector<16xi32> to vector<32xbf16>
        %parallel_loop3A_547 = arith.constant 32 : i32
        %parallel_loop3A_548 = tpu.memref_slice %arg5[%parallel_loop3A_547] : memref<16384xi32, #tpu.memory_space<vmem>> -> memref<16352xi32, #tpu.memory_space<vmem>>
        %parallel_loop3A_549 = tpu.vector_load_idx %parallel_loop3A_548[%parallel_loop3A_232] : memref<16352xi32, #tpu.memory_space<vmem>>[vector<16xi32>], vector<16xi32>,
        %parallel_loop3A_550 = vector.bitcast %parallel_loop3A_549 : vector<16xi32> to vector<32xbf16>
        %parallel_loop3A_551 = arith.constant 32 : i32
        %parallel_loop3A_552 = tpu.memref_slice %arg5[%parallel_loop3A_551] : memref<16384xi32, #tpu.memory_space<vmem>> -> memref<16352xi32, #tpu.memory_space<vmem>>
        %parallel_loop3A_553 = tpu.vector_load_idx %parallel_loop3A_552[%parallel_loop3A_243] : memref<16352xi32, #tpu.memory_space<vmem>>[vector<16xi32>], vector<16xi32>,
        %parallel_loop3A_554 = vector.bitcast %parallel_loop3A_553 : vector<16xi32> to vector<32xbf16>
        %parallel_loop3A_555 = arith.constant 32 : i32
        %parallel_loop3A_556 = tpu.memref_slice %arg5[%parallel_loop3A_555] : memref<16384xi32, #tpu.memory_space<vmem>> -> memref<16352xi32, #tpu.memory_space<vmem>>
        %parallel_loop3A_557 = tpu.vector_load_idx %parallel_loop3A_556[%parallel_loop3A_254] : memref<16352xi32, #tpu.memory_space<vmem>>[vector<16xi32>], vector<16xi32>,
        %parallel_loop3A_558 = vector.bitcast %parallel_loop3A_557 : vector<16xi32> to vector<32xbf16>
        %parallel_loop3A_559 = arith.constant 32 : i32
        %parallel_loop3A_560 = tpu.memref_slice %arg5[%parallel_loop3A_559] : memref<16384xi32, #tpu.memory_space<vmem>> -> memref<16352xi32, #tpu.memory_space<vmem>>
        %parallel_loop3A_561 = tpu.vector_load_idx %parallel_loop3A_560[%parallel_loop3A_265] : memref<16352xi32, #tpu.memory_space<vmem>>[vector<16xi32>], vector<16xi32>,
        %parallel_loop3A_562 = vector.bitcast %parallel_loop3A_561 : vector<16xi32> to vector<32xbf16>
        %parallel_loop3A_563 = arith.constant 32 : i32
        %parallel_loop3A_564 = tpu.memref_slice %arg5[%parallel_loop3A_563] : memref<16384xi32, #tpu.memory_space<vmem>> -> memref<16352xi32, #tpu.memory_space<vmem>>
        %parallel_loop3A_565 = tpu.vector_load_idx %parallel_loop3A_564[%parallel_loop3A_276] : memref<16352xi32, #tpu.memory_space<vmem>>[vector<16xi32>], vector<16xi32>,
        %parallel_loop3A_566 = vector.bitcast %parallel_loop3A_565 : vector<16xi32> to vector<32xbf16>
        %parallel_loop3A_567 = arith.constant 32 : i32
        %parallel_loop3A_568 = tpu.memref_slice %arg5[%parallel_loop3A_567] : memref<16384xi32, #tpu.memory_space<vmem>> -> memref<16352xi32, #tpu.memory_space<vmem>>
        %parallel_loop3A_569 = tpu.vector_load_idx %parallel_loop3A_568[%parallel_loop3A_287] : memref<16352xi32, #tpu.memory_space<vmem>>[vector<16xi32>], vector<16xi32>,
        %parallel_loop3A_570 = vector.bitcast %parallel_loop3A_569 : vector<16xi32> to vector<32xbf16>
        %parallel_loop3A_571 = arith.constant 32 : i32
        %parallel_loop3A_572 = tpu.memref_slice %arg5[%parallel_loop3A_571] : memref<16384xi32, #tpu.memory_space<vmem>> -> memref<16352xi32, #tpu.memory_space<vmem>>
        %parallel_loop3A_573 = tpu.vector_load_idx %parallel_loop3A_572[%parallel_loop3A_298] : memref<16352xi32, #tpu.memory_space<vmem>>[vector<16xi32>], vector<16xi32>,
        %parallel_loop3A_574 = vector.bitcast %parallel_loop3A_573 : vector<16xi32> to vector<32xbf16>
        %parallel_loop3A_575 = arith.constant 32 : i32
        %parallel_loop3A_576 = tpu.memref_slice %arg5[%parallel_loop3A_575] : memref<16384xi32, #tpu.memory_space<vmem>> -> memref<16352xi32, #tpu.memory_space<vmem>>
        %parallel_loop3A_577 = tpu.vector_load_idx %parallel_loop3A_576[%parallel_loop3A_309] : memref<16352xi32, #tpu.memory_space<vmem>>[vector<16xi32>], vector<16xi32>,
        %parallel_loop3A_578 = vector.bitcast %parallel_loop3A_577 : vector<16xi32> to vector<32xbf16>
        %parallel_loop3A_579 = arith.constant 32 : i32
        %parallel_loop3A_580 = tpu.memref_slice %arg5[%parallel_loop3A_579] : memref<16384xi32, #tpu.memory_space<vmem>> -> memref<16352xi32, #tpu.memory_space<vmem>>
        %parallel_loop3A_581 = tpu.vector_load_idx %parallel_loop3A_580[%parallel_loop3A_320] : memref<16352xi32, #tpu.memory_space<vmem>>[vector<16xi32>], vector<16xi32>,
        %parallel_loop3A_582 = vector.bitcast %parallel_loop3A_581 : vector<16xi32> to vector<32xbf16>
        %parallel_loop3A_583 = arith.constant 32 : i32
        %parallel_loop3A_584 = tpu.memref_slice %arg5[%parallel_loop3A_583] : memref<16384xi32, #tpu.memory_space<vmem>> -> memref<16352xi32, #tpu.memory_space<vmem>>
        %parallel_loop3A_585 = tpu.vector_load_idx %parallel_loop3A_584[%parallel_loop3A_331] : memref<16352xi32, #tpu.memory_space<vmem>>[vector<16xi32>], vector<16xi32>,
        %parallel_loop3A_586 = vector.bitcast %parallel_loop3A_585 : vector<16xi32> to vector<32xbf16>
        %parallel_loop3A_587 = arith.constant 32 : i32
        %parallel_loop3A_588 = tpu.memref_slice %arg5[%parallel_loop3A_587] : memref<16384xi32, #tpu.memory_space<vmem>> -> memref<16352xi32, #tpu.memory_space<vmem>>
        %parallel_loop3A_589 = tpu.vector_load_idx %parallel_loop3A_588[%parallel_loop3A_342] : memref<16352xi32, #tpu.memory_space<vmem>>[vector<16xi32>], vector<16xi32>,
        %parallel_loop3A_590 = vector.bitcast %parallel_loop3A_589 : vector<16xi32> to vector<32xbf16>
        %parallel_loop3A_591 = arith.addf %parallel_loop3A_530, %parallel_loop3A_534 : vector<32xbf16>
        %parallel_loop3A_592 = arith.addf %parallel_loop3A_538, %parallel_loop3A_542 : vector<32xbf16>
        %parallel_loop3A_593 = arith.addf %parallel_loop3A_546, %parallel_loop3A_550 : vector<32xbf16>
        %parallel_loop3A_594 = arith.addf %parallel_loop3A_554, %parallel_loop3A_558 : vector<32xbf16>
        %parallel_loop3A_595 = arith.addf %parallel_loop3A_562, %parallel_loop3A_566 : vector<32xbf16>
        %parallel_loop3A_596 = arith.addf %parallel_loop3A_570, %parallel_loop3A_574 : vector<32xbf16>
        %parallel_loop3A_597 = arith.addf %parallel_loop3A_578, %parallel_loop3A_582 : vector<32xbf16>
        %parallel_loop3A_598 = arith.addf %parallel_loop3A_586, %parallel_loop3A_590 : vector<32xbf16>
        %parallel_loop3A_599 = arith.addf %parallel_loop3A_591, %parallel_loop3A_592 : vector<32xbf16>
        %parallel_loop3A_600 = arith.addf %parallel_loop3A_593, %parallel_loop3A_594 : vector<32xbf16>
        %parallel_loop3A_601 = arith.addf %parallel_loop3A_595, %parallel_loop3A_596 : vector<32xbf16>
        %parallel_loop3A_602 = arith.addf %parallel_loop3A_597, %parallel_loop3A_598 : vector<32xbf16>
        %parallel_loop3A_603 = arith.addf %parallel_loop3A_599, %parallel_loop3A_600 : vector<32xbf16>
        %parallel_loop3A_604 = arith.addf %parallel_loop3A_601, %parallel_loop3A_602 : vector<32xbf16>
        %parallel_loop3A_605 = arith.addf %parallel_loop3A_603, %parallel_loop3A_604 : vector<32xbf16>
        %parallel_loop3A_606 = tpu.unpack_subelements %parallel_loop3A_605, 0 {pack_format = #tpu.pack_format<interleaved>} : vector<32xbf16> -> vector<16xf32>
        %parallel_loop3A_607 = tpu.unpack_subelements %parallel_loop3A_605, 1 {pack_format = #tpu.pack_format<interleaved>} : vector<32xbf16> -> vector<16xf32>
        %parallel_loop3A_608 = arith.constant 128 : i32
        %parallel_loop3A_609 = arith.muli %parallel_loop3A_156, %parallel_loop3A_608 : i32
        %parallel_loop3A_610 = arith.addi %mul3A_141, %parallel_loop3A_609 : i32
        %parallel_loop3A_611 = arith.constant 32 : i32
        %parallel_loop3A_612 = arith.addi %parallel_loop3A_610, %parallel_loop3A_611 : i32
        %parallel_loop3A_613 = arith.index_cast %parallel_loop3A_612 : i32 to index
        %parallel_loop3A_614 = tpu.vector_load %arg7[%parallel_loop3A_613] {strides = array<i32>} : memref<28672xf32, #tpu.memory_space<vmem>>, vector<16xf32>,
        tpu.vector_store %arg7[%parallel_loop3A_613], %parallel_loop3A_606 {strides = array<i32>} : memref<28672xf32, #tpu.memory_space<vmem>>, vector<16xf32>,
        %parallel_loop3A_615 = arith.constant 64 : i32
        %parallel_loop3A_616 = arith.addi %parallel_loop3A_612, %parallel_loop3A_615 : i32
        %parallel_loop3A_617 = arith.index_cast %parallel_loop3A_616 : i32 to index
        %parallel_loop3A_618 = tpu.vector_load %arg7[%parallel_loop3A_617] {strides = array<i32>} : memref<28672xf32, #tpu.memory_space<vmem>>, vector<16xf32>,
        tpu.vector_store %arg7[%parallel_loop3A_617], %parallel_loop3A_607 {strides = array<i32>} : memref<28672xf32, #tpu.memory_space<vmem>>, vector<16xf32>,
        %parallel_loop3A_619 = arith.constant 48 : i32
        %parallel_loop3A_620 = tpu.memref_slice %arg5[%parallel_loop3A_619] : memref<16384xi32, #tpu.memory_space<vmem>> -> memref<16336xi32, #tpu.memory_space<vmem>>
        %parallel_loop3A_621 = tpu.vector_load_idx %parallel_loop3A_620[%parallel_loop3A_177] : memref<16336xi32, #tpu.memory_space<vmem>>[vector<16xi32>], vector<16xi32>,
        %parallel_loop3A_622 = vector.bitcast %parallel_loop3A_621 : vector<16xi32> to vector<32xbf16>
        %parallel_loop3A_623 = arith.constant 48 : i32
        %parallel_loop3A_624 = tpu.memref_slice %arg5[%parallel_loop3A_623] : memref<16384xi32, #tpu.memory_space<vmem>> -> memref<16336xi32, #tpu.memory_space<vmem>>
        %parallel_loop3A_625 = tpu.vector_load_idx %parallel_loop3A_624[%parallel_loop3A_188] : memref<16336xi32, #tpu.memory_space<vmem>>[vector<16xi32>], vector<16xi32>,
        %parallel_loop3A_626 = vector.bitcast %parallel_loop3A_625 : vector<16xi32> to vector<32xbf16>
        %parallel_loop3A_627 = arith.constant 48 : i32
        %parallel_loop3A_628 = tpu.memref_slice %arg5[%parallel_loop3A_627] : memref<16384xi32, #tpu.memory_space<vmem>> -> memref<16336xi32, #tpu.memory_space<vmem>>
        %parallel_loop3A_629 = tpu.vector_load_idx %parallel_loop3A_628[%parallel_loop3A_199] : memref<16336xi32, #tpu.memory_space<vmem>>[vector<16xi32>], vector<16xi32>,
        %parallel_loop3A_630 = vector.bitcast %parallel_loop3A_629 : vector<16xi32> to vector<32xbf16>
        %parallel_loop3A_631 = arith.constant 48 : i32
        %parallel_loop3A_632 = tpu.memref_slice %arg5[%parallel_loop3A_631] : memref<16384xi32, #tpu.memory_space<vmem>> -> memref<16336xi32, #tpu.memory_space<vmem>>
        %parallel_loop3A_633 = tpu.vector_load_idx %parallel_loop3A_632[%parallel_loop3A_210] : memref<16336xi32, #tpu.memory_space<vmem>>[vector<16xi32>], vector<16xi32>,
        %parallel_loop3A_634 = vector.bitcast %parallel_loop3A_633 : vector<16xi32> to vector<32xbf16>
        %parallel_loop3A_635 = arith.constant 48 : i32
        %parallel_loop3A_636 = tpu.memref_slice %arg5[%parallel_loop3A_635] : memref<16384xi32, #tpu.memory_space<vmem>> -> memref<16336xi32, #tpu.memory_space<vmem>>
        %parallel_loop3A_637 = tpu.vector_load_idx %parallel_loop3A_636[%parallel_loop3A_221] : memref<16336xi32, #tpu.memory_space<vmem>>[vector<16xi32>], vector<16xi32>,
        %parallel_loop3A_638 = vector.bitcast %parallel_loop3A_637 : vector<16xi32> to vector<32xbf16>
        %parallel_loop3A_639 = arith.constant 48 : i32
        %parallel_loop3A_640 = tpu.memref_slice %arg5[%parallel_loop3A_639] : memref<16384xi32, #tpu.memory_space<vmem>> -> memref<16336xi32, #tpu.memory_space<vmem>>
        %parallel_loop3A_641 = tpu.vector_load_idx %parallel_loop3A_640[%parallel_loop3A_232] : memref<16336xi32, #tpu.memory_space<vmem>>[vector<16xi32>], vector<16xi32>,
        %parallel_loop3A_642 = vector.bitcast %parallel_loop3A_641 : vector<16xi32> to vector<32xbf16>
        %parallel_loop3A_643 = arith.constant 48 : i32
        %parallel_loop3A_644 = tpu.memref_slice %arg5[%parallel_loop3A_643] : memref<16384xi32, #tpu.memory_space<vmem>> -> memref<16336xi32, #tpu.memory_space<vmem>>
        %parallel_loop3A_645 = tpu.vector_load_idx %parallel_loop3A_644[%parallel_loop3A_243] : memref<16336xi32, #tpu.memory_space<vmem>>[vector<16xi32>], vector<16xi32>,
        %parallel_loop3A_646 = vector.bitcast %parallel_loop3A_645 : vector<16xi32> to vector<32xbf16>
        %parallel_loop3A_647 = arith.constant 48 : i32
        %parallel_loop3A_648 = tpu.memref_slice %arg5[%parallel_loop3A_647] : memref<16384xi32, #tpu.memory_space<vmem>> -> memref<16336xi32, #tpu.memory_space<vmem>>
        %parallel_loop3A_649 = tpu.vector_load_idx %parallel_loop3A_648[%parallel_loop3A_254] : memref<16336xi32, #tpu.memory_space<vmem>>[vector<16xi32>], vector<16xi32>,
        %parallel_loop3A_650 = vector.bitcast %parallel_loop3A_649 : vector<16xi32> to vector<32xbf16>
        %parallel_loop3A_651 = arith.constant 48 : i32
        %parallel_loop3A_652 = tpu.memref_slice %arg5[%parallel_loop3A_651] : memref<16384xi32, #tpu.memory_space<vmem>> -> memref<16336xi32, #tpu.memory_space<vmem>>
        %parallel_loop3A_653 = tpu.vector_load_idx %parallel_loop3A_652[%parallel_loop3A_265] : memref<16336xi32, #tpu.memory_space<vmem>>[vector<16xi32>], vector<16xi32>,
        %parallel_loop3A_654 = vector.bitcast %parallel_loop3A_653 : vector<16xi32> to vector<32xbf16>
        %parallel_loop3A_655 = arith.constant 48 : i32
        %parallel_loop3A_656 = tpu.memref_slice %arg5[%parallel_loop3A_655] : memref<16384xi32, #tpu.memory_space<vmem>> -> memref<16336xi32, #tpu.memory_space<vmem>>
        %parallel_loop3A_657 = tpu.vector_load_idx %parallel_loop3A_656[%parallel_loop3A_276] : memref<16336xi32, #tpu.memory_space<vmem>>[vector<16xi32>], vector<16xi32>,
        %parallel_loop3A_658 = vector.bitcast %parallel_loop3A_657 : vector<16xi32> to vector<32xbf16>
        %parallel_loop3A_659 = arith.constant 48 : i32
        %parallel_loop3A_660 = tpu.memref_slice %arg5[%parallel_loop3A_659] : memref<16384xi32, #tpu.memory_space<vmem>> -> memref<16336xi32, #tpu.memory_space<vmem>>
        %parallel_loop3A_661 = tpu.vector_load_idx %parallel_loop3A_660[%parallel_loop3A_287] : memref<16336xi32, #tpu.memory_space<vmem>>[vector<16xi32>], vector<16xi32>,
        %parallel_loop3A_662 = vector.bitcast %parallel_loop3A_661 : vector<16xi32> to vector<32xbf16>
        %parallel_loop3A_663 = arith.constant 48 : i32
        %parallel_loop3A_664 = tpu.memref_slice %arg5[%parallel_loop3A_663] : memref<16384xi32, #tpu.memory_space<vmem>> -> memref<16336xi32, #tpu.memory_space<vmem>>
        %parallel_loop3A_665 = tpu.vector_load_idx %parallel_loop3A_664[%parallel_loop3A_298] : memref<16336xi32, #tpu.memory_space<vmem>>[vector<16xi32>], vector<16xi32>,
        %parallel_loop3A_666 = vector.bitcast %parallel_loop3A_665 : vector<16xi32> to vector<32xbf16>
        %parallel_loop3A_667 = arith.constant 48 : i32
        %parallel_loop3A_668 = tpu.memref_slice %arg5[%parallel_loop3A_667] : memref<16384xi32, #tpu.memory_space<vmem>> -> memref<16336xi32, #tpu.memory_space<vmem>>
        %parallel_loop3A_669 = tpu.vector_load_idx %parallel_loop3A_668[%parallel_loop3A_309] : memref<16336xi32, #tpu.memory_space<vmem>>[vector<16xi32>], vector<16xi32>,
        %parallel_loop3A_670 = vector.bitcast %parallel_loop3A_669 : vector<16xi32> to vector<32xbf16>
        %parallel_loop3A_671 = arith.constant 48 : i32
        %parallel_loop3A_672 = tpu.memref_slice %arg5[%parallel_loop3A_671] : memref<16384xi32, #tpu.memory_space<vmem>> -> memref<16336xi32, #tpu.memory_space<vmem>>
        %parallel_loop3A_673 = tpu.vector_load_idx %parallel_loop3A_672[%parallel_loop3A_320] : memref<16336xi32, #tpu.memory_space<vmem>>[vector<16xi32>], vector<16xi32>,
        %parallel_loop3A_674 = vector.bitcast %parallel_loop3A_673 : vector<16xi32> to vector<32xbf16>
        %parallel_loop3A_675 = arith.constant 48 : i32
        %parallel_loop3A_676 = tpu.memref_slice %arg5[%parallel_loop3A_675] : memref<16384xi32, #tpu.memory_space<vmem>> -> memref<16336xi32, #tpu.memory_space<vmem>>
        %parallel_loop3A_677 = tpu.vector_load_idx %parallel_loop3A_676[%parallel_loop3A_331] : memref<16336xi32, #tpu.memory_space<vmem>>[vector<16xi32>], vector<16xi32>,
        %parallel_loop3A_678 = vector.bitcast %parallel_loop3A_677 : vector<16xi32> to vector<32xbf16>
        %parallel_loop3A_679 = arith.constant 48 : i32
        %parallel_loop3A_680 = tpu.memref_slice %arg5[%parallel_loop3A_679] : memref<16384xi32, #tpu.memory_space<vmem>> -> memref<16336xi32, #tpu.memory_space<vmem>>
        %parallel_loop3A_681 = tpu.vector_load_idx %parallel_loop3A_680[%parallel_loop3A_342] : memref<16336xi32, #tpu.memory_space<vmem>>[vector<16xi32>], vector<16xi32>,
        %parallel_loop3A_682 = vector.bitcast %parallel_loop3A_681 : vector<16xi32> to vector<32xbf16>
        %parallel_loop3A_683 = arith.addf %parallel_loop3A_622, %parallel_loop3A_626 : vector<32xbf16>
        %parallel_loop3A_684 = arith.addf %parallel_loop3A_630, %parallel_loop3A_634 : vector<32xbf16>
        %parallel_loop3A_685 = arith.addf %parallel_loop3A_638, %parallel_loop3A_642 : vector<32xbf16>
        %parallel_loop3A_686 = arith.addf %parallel_loop3A_646, %parallel_loop3A_650 : vector<32xbf16>
        %parallel_loop3A_687 = arith.addf %parallel_loop3A_654, %parallel_loop3A_658 : vector<32xbf16>
        %parallel_loop3A_688 = arith.addf %parallel_loop3A_662, %parallel_loop3A_666 : vector<32xbf16>
        %parallel_loop3A_689 = arith.addf %parallel_loop3A_670, %parallel_loop3A_674 : vector<32xbf16>
        %parallel_loop3A_690 = arith.addf %parallel_loop3A_678, %parallel_loop3A_682 : vector<32xbf16>
        %parallel_loop3A_691 = arith.addf %parallel_loop3A_683, %parallel_loop3A_684 : vector<32xbf16>
        %parallel_loop3A_692 = arith.addf %parallel_loop3A_685, %parallel_loop3A_686 : vector<32xbf16>
        %parallel_loop3A_693 = arith.addf %parallel_loop3A_687, %parallel_loop3A_688 : vector<32xbf16>
        %parallel_loop3A_694 = arith.addf %parallel_loop3A_689, %parallel_loop3A_690 : vector<32xbf16>
        %parallel_loop3A_695 = arith.addf %parallel_loop3A_691, %parallel_loop3A_692 : vector<32xbf16>
        %parallel_loop3A_696 = arith.addf %parallel_loop3A_693, %parallel_loop3A_694 : vector<32xbf16>
        %parallel_loop3A_697 = arith.addf %parallel_loop3A_695, %parallel_loop3A_696 : vector<32xbf16>
        %parallel_loop3A_698 = tpu.unpack_subelements %parallel_loop3A_697, 0 {pack_format = #tpu.pack_format<interleaved>} : vector<32xbf16> -> vector<16xf32>
        %parallel_loop3A_699 = tpu.unpack_subelements %parallel_loop3A_697, 1 {pack_format = #tpu.pack_format<interleaved>} : vector<32xbf16> -> vector<16xf32>
        %parallel_loop3A_700 = arith.constant 128 : i32
        %parallel_loop3A_701 = arith.muli %parallel_loop3A_156, %parallel_loop3A_700 : i32
        %parallel_loop3A_702 = arith.addi %mul3A_141, %parallel_loop3A_701 : i32
        %parallel_loop3A_703 = arith.constant 48 : i32
        %parallel_loop3A_704 = arith.addi %parallel_loop3A_702, %parallel_loop3A_703 : i32
        %parallel_loop3A_705 = arith.index_cast %parallel_loop3A_704 : i32 to index
        %parallel_loop3A_706 = tpu.vector_load %arg7[%parallel_loop3A_705] {strides = array<i32>} : memref<28672xf32, #tpu.memory_space<vmem>>, vector<16xf32>,
        tpu.vector_store %arg7[%parallel_loop3A_705], %parallel_loop3A_698 {strides = array<i32>} : memref<28672xf32, #tpu.memory_space<vmem>>, vector<16xf32>,
        %parallel_loop3A_707 = arith.constant 64 : i32
        %parallel_loop3A_708 = arith.addi %parallel_loop3A_704, %parallel_loop3A_707 : i32
        %parallel_loop3A_709 = arith.index_cast %parallel_loop3A_708 : i32 to index
        %parallel_loop3A_710 = tpu.vector_load %arg7[%parallel_loop3A_709] {strides = array<i32>} : memref<28672xf32, #tpu.memory_space<vmem>>, vector<16xf32>,
        tpu.vector_store %arg7[%parallel_loop3A_709], %parallel_loop3A_699 {strides = array<i32>} : memref<28672xf32, #tpu.memory_space<vmem>>, vector<16xf32>,
      } {sc.loop_unroll_factor = 2 : i64, sc.parallel_access}
      %mul3A_146 = arith.constant 7168 : i32
      %mul3A_147 = arith.muli %rem3A_137, %mul3A_146 : i32
      %mul3A_148 = arith.constant 14 : i32
      %mul3A_149 = arith.muli %add3A, %mul3A_148 : i32
      %add3A_150 = arith.addi %mul3A_149, %scan3A_135 : i32
      %mul3A_151 = arith.constant 7168 : i32
      %mul3A_152 = arith.muli %add3A_150, %mul3A_151 : i32
      %dma_start3A = tpu.memref_slice %arg7[%mul3A_147] : memref<28672xf32, #tpu.memory_space<vmem>> -> memref<7168xf32, #tpu.memory_space<vmem>>
      %dma_start3A_153 = tpu.memref_slice %arg4[%mul3A_152] : memref<3211264xf32, #tpu.memory_space<hbm>> -> memref<7168xf32, #tpu.memory_space<hbm>>
      %dma_start3A_154 = tpu.memref_slice %arg4[%mul3A_152] : memref<3211264xf32, #tpu.memory_space<hbm>> -> memref<7168xf32, #tpu.memory_space<hbm>>
      %dma_start3A_155 = tpu.memref_slice %arg7[%mul3A_147] : memref<28672xf32, #tpu.memory_space<vmem>> -> memref<7168xf32, #tpu.memory_space<vmem>>
      tpu.enqueue_dma source(%dma_start3A_155 : memref<7168xf32, #tpu.memory_space<vmem>>) target(%dma_start3A_154 : memref<7168xf32, #tpu.memory_space<hbm>>) target_semaphore(%arg8 : memref<!tpu.dma_semaphore, #tpu.memory_space<semaphore_mem>>)
    }
    %scan3A_87 = arith.constant 14 : i32
    %mul3A_88 = arith.constant 14 : i32
    %mul3A_89 = arith.muli %add3A, %mul3A_88 : i32
    %add3A_90 = arith.constant 10 : i32
    %add3A_91 = arith.addi %mul3A_89, %add3A_90 : i32
    %mul3A_92 = arith.constant 7168 : i32
    %mul3A_93 = arith.muli %add3A_91, %mul3A_92 : i32
    %dma_wait3A = arith.constant 14336 : i32
    %dma_wait3A_94 = tpu.memref_slice %arg7[%dma_wait3A] : memref<28672xf32, #tpu.memory_space<vmem>> -> memref<7168xf32, #tpu.memory_space<vmem>>
    %dma_wait3A_95 = tpu.memref_slice %arg4[%mul3A_93] : memref<3211264xf32, #tpu.memory_space<hbm>> -> memref<7168xf32, #tpu.memory_space<hbm>>
    %dma_wait3A_96 = tpu.memref_slice %arg4[%mul3A_93] : memref<3211264xf32, #tpu.memory_space<hbm>> -> memref<7168xf32, #tpu.memory_space<hbm>>
    %dma_wait3A_97 = arith.constant 14336 : i32
    %dma_wait3A_98 = tpu.memref_slice %arg7[%dma_wait3A_97] : memref<28672xf32, #tpu.memory_space<vmem>> -> memref<7168xf32, #tpu.memory_space<vmem>>
    tpu.wait_dma2 semaphore(%arg8 : memref<!tpu.dma_semaphore, #tpu.memory_space<semaphore_mem>>) src(%dma_wait3A_98 : memref<7168xf32, #tpu.memory_space<vmem>>) dst(%dma_wait3A_96 : memref<7168xf32, #tpu.memory_space<hbm>>)
    %mul3A_99 = arith.constant 14 : i32
    %mul3A_100 = arith.muli %add3A, %mul3A_99 : i32
    %add3A_101 = arith.constant 11 : i32
    %add3A_102 = arith.addi %mul3A_100, %add3A_101 : i32
    %mul3A_103 = arith.constant 7168 : i32
    %mul3A_104 = arith.muli %add3A_102, %mul3A_103 : i32
    %dma_wait3A_105 = arith.constant 21504 : i32
    %dma_wait3A_106 = tpu.memref_slice %arg7[%dma_wait3A_105] : memref<28672xf32, #tpu.memory_space<vmem>> -> memref<7168xf32, #tpu.memory_space<vmem>>
    %dma_wait3A_107 = tpu.memref_slice %arg4[%mul3A_104] : memref<3211264xf32, #tpu.memory_space<hbm>> -> memref<7168xf32, #tpu.memory_space<hbm>>
    %dma_wait3A_108 = tpu.memref_slice %arg4[%mul3A_104] : memref<3211264xf32, #tpu.memory_space<hbm>> -> memref<7168xf32, #tpu.memory_space<hbm>>
    %dma_wait3A_109 = arith.constant 21504 : i32
    %dma_wait3A_110 = tpu.memref_slice %arg7[%dma_wait3A_109] : memref<28672xf32, #tpu.memory_space<vmem>> -> memref<7168xf32, #tpu.memory_space<vmem>>
    tpu.wait_dma2 semaphore(%arg8 : memref<!tpu.dma_semaphore, #tpu.memory_space<semaphore_mem>>) src(%dma_wait3A_110 : memref<7168xf32, #tpu.memory_space<vmem>>) dst(%dma_wait3A_108 : memref<7168xf32, #tpu.memory_space<hbm>>)
    %mul3A_111 = arith.constant 14 : i32
    %mul3A_112 = arith.muli %add3A, %mul3A_111 : i32
    %add3A_113 = arith.constant 12 : i32
    %add3A_114 = arith.addi %mul3A_112, %add3A_113 : i32
    %mul3A_115 = arith.constant 7168 : i32
    %mul3A_116 = arith.muli %add3A_114, %mul3A_115 : i32
    %dma_wait3A_117 = arith.constant 0 : i32
    %dma_wait3A_118 = tpu.memref_slice %arg7[%dma_wait3A_117] : memref<28672xf32, #tpu.memory_space<vmem>> -> memref<7168xf32, #tpu.memory_space<vmem>>
    %dma_wait3A_119 = tpu.memref_slice %arg4[%mul3A_116] : memref<3211264xf32, #tpu.memory_space<hbm>> -> memref<7168xf32, #tpu.memory_space<hbm>>
    %dma_wait3A_120 = tpu.memref_slice %arg4[%mul3A_116] : memref<3211264xf32, #tpu.memory_space<hbm>> -> memref<7168xf32, #tpu.memory_space<hbm>>
    %dma_wait3A_121 = arith.constant 0 : i32
    %dma_wait3A_122 = tpu.memref_slice %arg7[%dma_wait3A_121] : memref<28672xf32, #tpu.memory_space<vmem>> -> memref<7168xf32, #tpu.memory_space<vmem>>
    tpu.wait_dma2 semaphore(%arg8 : memref<!tpu.dma_semaphore, #tpu.memory_space<semaphore_mem>>) src(%dma_wait3A_122 : memref<7168xf32, #tpu.memory_space<vmem>>) dst(%dma_wait3A_120 : memref<7168xf32, #tpu.memory_space<hbm>>)
    %mul3A_123 = arith.constant 14 : i32
    %mul3A_124 = arith.muli %add3A, %mul3A_123 : i32
    %add3A_125 = arith.constant 13 : i32
    %add3A_126 = arith.addi %mul3A_124, %add3A_125 : i32
    %mul3A_127 = arith.constant 7168 : i32
    %mul3A_128 = arith.muli %add3A_126, %mul3A_127 : i32
    %dma_wait3A_129 = arith.constant 7168 : i32
    %dma_wait3A_130 = tpu.memref_slice %arg7[%dma_wait3A_129] : memref<28672xf32, #tpu.memory_space<vmem>> -> memref<7168xf32, #tpu.memory_space<vmem>>
    %dma_wait3A_131 = tpu.memref_slice %arg4[%mul3A_128] : memref<3211264xf32, #tpu.memory_space<hbm>> -> memref<7168xf32, #tpu.memory_space<hbm>>
    %dma_wait3A_132 = tpu.memref_slice %arg4[%mul3A_128] : memref<3211264xf32, #tpu.memory_space<hbm>> -> memref<7168xf32, #tpu.memory_space<hbm>>
    %dma_wait3A_133 = arith.constant 7168 : i32
    %dma_wait3A_134 = tpu.memref_slice %arg7[%dma_wait3A_133] : memref<28672xf32, #tpu.memory_space<vmem>> -> memref<7168xf32, #tpu.memory_space<vmem>>
    tpu.wait_dma2 semaphore(%arg8 : memref<!tpu.dma_semaphore, #tpu.memory_space<semaphore_mem>>) src(%dma_wait3A_134 : memref<7168xf32, #tpu.memory_space<vmem>>) dst(%dma_wait3A_132 : memref<7168xf32, #tpu.memory_space<hbm>>)
    return
  }
}

module attributes {stable_mosaic.version = 14 : i64} {
  func.func @_table_body(%arg0: memref<16x128xf32, #tpu.memory_space<vmem>>, %arg1: memref<128x2048xf32, #tpu.memory_space<vmem>>, %arg2: memref<256x64xi32, #tpu.memory_space<vmem>>) attributes {dimension_semantics = [], scalar_prefetch = 0 : i64, scratch_operands = 0 : i64, tpu.core_type = #tpu.core_type<tc>} {
    %get3A = arith.constant 0 : index
    %get3A_0 = arith.constant 0 : index
    %get3A_1 = vector.load %arg0[%get3A, %get3A_0] : memref<16x128xf32, #tpu.memory_space<vmem>>, vector<16x128xf32>
    %get3A_2 = arith.constant 0 : index
    %get3A_3 = arith.constant 0 : index
    %get3A_4 = vector.load %arg1[%get3A_2, %get3A_3] : memref<128x2048xf32, #tpu.memory_space<vmem>>, vector<128x128xf32>
    %dot_general3A = arith.constant dense<0.000000e+00> : vector<16x128xf32>
    %dot_general3A_5 = tpu.matmul %get3A_1, %get3A_4, %dot_general3A {dimension_numbers = #tpu.dot_dimension_numbers<[1], [1], [0], [0], [0, 0, 1, 0], [], []>, transpose_lhs_hint = false} : vector<16x128xf32>, vector<128x128xf32>, vector<16x128xf32> -> vector<16x128xf32>
    %slice3A = vector.extract_strided_slice %dot_general3A_5 {offsets = [0, 0], sizes = [16, 64], strides = [1, 1]} : vector<16x128xf32> to vector<16x64xf32>
    %bitcast_convert_type3A = tpu.bitcast %slice3A : vector<16x64xf32> -> vector<16x64xi32>
    %slice3A_6 = vector.extract_strided_slice %dot_general3A_5 {offsets = [0, 64], sizes = [16, 64], strides = [1, 1]} : vector<16x128xf32> to vector<16x64xf32>
    %bitcast_convert_type3A_7 = tpu.bitcast %slice3A_6 : vector<16x64xf32> -> vector<16x64xi32>
    %add3A = arith.constant 32767 : i32
    %add3A_8 = vector.broadcast %add3A : i32 to vector<16x64xi32>
    %add3A_9 = arith.addi %bitcast_convert_type3A, %add3A_8 : vector<16x64xi32>
    %shift_right_logical3A = arith.constant 16 : i32
    %shift_right_logical3A_10 = vector.broadcast %shift_right_logical3A : i32 to vector<16x64xi32>
    %shift_right_logical3A_11 = arith.shrui %bitcast_convert_type3A, %shift_right_logical3A_10 : vector<16x64xi32>
    %and3A = arith.constant 1 : i32
    %and3A_12 = vector.broadcast %and3A : i32 to vector<16x64xi32>
    %and3A_13 = arith.andi %shift_right_logical3A_11, %and3A_12 : vector<16x64xi32>
    %add3A_14 = arith.addi %add3A_9, %and3A_13 : vector<16x64xi32>
    %shift_right_logical3A_15 = arith.constant 16 : i32
    %shift_right_logical3A_16 = vector.broadcast %shift_right_logical3A_15 : i32 to vector<16x64xi32>
    %shift_right_logical3A_17 = arith.shrui %add3A_14, %shift_right_logical3A_16 : vector<16x64xi32>
    %add3A_18 = arith.constant 32767 : i32
    %add3A_19 = vector.broadcast %add3A_18 : i32 to vector<16x64xi32>
    %add3A_20 = arith.addi %bitcast_convert_type3A_7, %add3A_19 : vector<16x64xi32>
    %shift_right_logical3A_21 = arith.constant 16 : i32
    %shift_right_logical3A_22 = vector.broadcast %shift_right_logical3A_21 : i32 to vector<16x64xi32>
    %shift_right_logical3A_23 = arith.shrui %bitcast_convert_type3A_7, %shift_right_logical3A_22 : vector<16x64xi32>
    %and3A_24 = arith.constant 1 : i32
    %and3A_25 = vector.broadcast %and3A_24 : i32 to vector<16x64xi32>
    %and3A_26 = arith.andi %shift_right_logical3A_23, %and3A_25 : vector<16x64xi32>
    %add3A_27 = arith.addi %add3A_20, %and3A_26 : vector<16x64xi32>
    %shift_right_logical3A_28 = arith.constant 16 : i32
    %shift_right_logical3A_29 = vector.broadcast %shift_right_logical3A_28 : i32 to vector<16x64xi32>
    %shift_right_logical3A_30 = arith.shrui %add3A_27, %shift_right_logical3A_29 : vector<16x64xi32>
    %shift_left3A = arith.constant 16 : i32
    %shift_left3A_31 = vector.broadcast %shift_left3A : i32 to vector<16x64xi32>
    %shift_left3A_32 = arith.shli %shift_right_logical3A_30, %shift_left3A_31 : vector<16x64xi32>
    %or3A = arith.ori %shift_right_logical3A_17, %shift_left3A_32 : vector<16x64xi32>
    %bitcast_convert_type3A_33 = tpu.bitcast %or3A : vector<16x64xi32> -> vector<16x64xi32>
    %swap3A = arith.constant 0 : index
    %swap3A_34 = arith.constant 0 : index
    %swap3A_35 = vector.load %arg2[%swap3A, %swap3A_34] : memref<256x64xi32, #tpu.memory_space<vmem>>, vector<16x64xi32>
    tpu.vector_store %arg2[%swap3A, %swap3A_34], %bitcast_convert_type3A_33 {strides = array<i32>} : memref<256x64xi32, #tpu.memory_space<vmem>>, vector<16x64xi32>,
    %get3A_36 = arith.constant 0 : index
    %get3A_37 = arith.constant 128 : index
    %get3A_38 = vector.load %arg1[%get3A_36, %get3A_37] : memref<128x2048xf32, #tpu.memory_space<vmem>>, vector<128x128xf32>
    %dot_general3A_39 = arith.constant dense<0.000000e+00> : vector<16x128xf32>
    %dot_general3A_40 = tpu.matmul %get3A_1, %get3A_38, %dot_general3A_39 {dimension_numbers = #tpu.dot_dimension_numbers<[1], [1], [0], [0], [0, 0, 1, 0], [], []>, transpose_lhs_hint = false} : vector<16x128xf32>, vector<128x128xf32>, vector<16x128xf32> -> vector<16x128xf32>
    %slice3A_41 = vector.extract_strided_slice %dot_general3A_40 {offsets = [0, 0], sizes = [16, 64], strides = [1, 1]} : vector<16x128xf32> to vector<16x64xf32>
    %bitcast_convert_type3A_42 = tpu.bitcast %slice3A_41 : vector<16x64xf32> -> vector<16x64xi32>
    %slice3A_43 = vector.extract_strided_slice %dot_general3A_40 {offsets = [0, 64], sizes = [16, 64], strides = [1, 1]} : vector<16x128xf32> to vector<16x64xf32>
    %bitcast_convert_type3A_44 = tpu.bitcast %slice3A_43 : vector<16x64xf32> -> vector<16x64xi32>
    %add3A_45 = arith.constant 32767 : i32
    %add3A_46 = vector.broadcast %add3A_45 : i32 to vector<16x64xi32>
    %add3A_47 = arith.addi %bitcast_convert_type3A_42, %add3A_46 : vector<16x64xi32>
    %shift_right_logical3A_48 = arith.constant 16 : i32
    %shift_right_logical3A_49 = vector.broadcast %shift_right_logical3A_48 : i32 to vector<16x64xi32>
    %shift_right_logical3A_50 = arith.shrui %bitcast_convert_type3A_42, %shift_right_logical3A_49 : vector<16x64xi32>
    %and3A_51 = arith.constant 1 : i32
    %and3A_52 = vector.broadcast %and3A_51 : i32 to vector<16x64xi32>
    %and3A_53 = arith.andi %shift_right_logical3A_50, %and3A_52 : vector<16x64xi32>
    %add3A_54 = arith.addi %add3A_47, %and3A_53 : vector<16x64xi32>
    %shift_right_logical3A_55 = arith.constant 16 : i32
    %shift_right_logical3A_56 = vector.broadcast %shift_right_logical3A_55 : i32 to vector<16x64xi32>
    %shift_right_logical3A_57 = arith.shrui %add3A_54, %shift_right_logical3A_56 : vector<16x64xi32>
    %add3A_58 = arith.constant 32767 : i32
    %add3A_59 = vector.broadcast %add3A_58 : i32 to vector<16x64xi32>
    %add3A_60 = arith.addi %bitcast_convert_type3A_44, %add3A_59 : vector<16x64xi32>
    %shift_right_logical3A_61 = arith.constant 16 : i32
    %shift_right_logical3A_62 = vector.broadcast %shift_right_logical3A_61 : i32 to vector<16x64xi32>
    %shift_right_logical3A_63 = arith.shrui %bitcast_convert_type3A_44, %shift_right_logical3A_62 : vector<16x64xi32>
    %and3A_64 = arith.constant 1 : i32
    %and3A_65 = vector.broadcast %and3A_64 : i32 to vector<16x64xi32>
    %and3A_66 = arith.andi %shift_right_logical3A_63, %and3A_65 : vector<16x64xi32>
    %add3A_67 = arith.addi %add3A_60, %and3A_66 : vector<16x64xi32>
    %shift_right_logical3A_68 = arith.constant 16 : i32
    %shift_right_logical3A_69 = vector.broadcast %shift_right_logical3A_68 : i32 to vector<16x64xi32>
    %shift_right_logical3A_70 = arith.shrui %add3A_67, %shift_right_logical3A_69 : vector<16x64xi32>
    %shift_left3A_71 = arith.constant 16 : i32
    %shift_left3A_72 = vector.broadcast %shift_left3A_71 : i32 to vector<16x64xi32>
    %shift_left3A_73 = arith.shli %shift_right_logical3A_70, %shift_left3A_72 : vector<16x64xi32>
    %or3A_74 = arith.ori %shift_right_logical3A_57, %shift_left3A_73 : vector<16x64xi32>
    %bitcast_convert_type3A_75 = tpu.bitcast %or3A_74 : vector<16x64xi32> -> vector<16x64xi32>
    %swap3A_76 = arith.constant 16 : index
    %swap3A_77 = arith.constant 0 : index
    %swap3A_78 = vector.load %arg2[%swap3A_76, %swap3A_77] : memref<256x64xi32, #tpu.memory_space<vmem>>, vector<16x64xi32>
    tpu.vector_store %arg2[%swap3A_76, %swap3A_77], %bitcast_convert_type3A_75 {strides = array<i32>} : memref<256x64xi32, #tpu.memory_space<vmem>>, vector<16x64xi32>,
    %get3A_79 = arith.constant 0 : index
    %get3A_80 = arith.constant 256 : index
    %get3A_81 = vector.load %arg1[%get3A_79, %get3A_80] : memref<128x2048xf32, #tpu.memory_space<vmem>>, vector<128x128xf32>
    %dot_general3A_82 = arith.constant dense<0.000000e+00> : vector<16x128xf32>
    %dot_general3A_83 = tpu.matmul %get3A_1, %get3A_81, %dot_general3A_82 {dimension_numbers = #tpu.dot_dimension_numbers<[1], [1], [0], [0], [0, 0, 1, 0], [], []>, transpose_lhs_hint = false} : vector<16x128xf32>, vector<128x128xf32>, vector<16x128xf32> -> vector<16x128xf32>
    %slice3A_84 = vector.extract_strided_slice %dot_general3A_83 {offsets = [0, 0], sizes = [16, 64], strides = [1, 1]} : vector<16x128xf32> to vector<16x64xf32>
    %bitcast_convert_type3A_85 = tpu.bitcast %slice3A_84 : vector<16x64xf32> -> vector<16x64xi32>
    %slice3A_86 = vector.extract_strided_slice %dot_general3A_83 {offsets = [0, 64], sizes = [16, 64], strides = [1, 1]} : vector<16x128xf32> to vector<16x64xf32>
    %bitcast_convert_type3A_87 = tpu.bitcast %slice3A_86 : vector<16x64xf32> -> vector<16x64xi32>
    %add3A_88 = arith.constant 32767 : i32
    %add3A_89 = vector.broadcast %add3A_88 : i32 to vector<16x64xi32>
    %add3A_90 = arith.addi %bitcast_convert_type3A_85, %add3A_89 : vector<16x64xi32>
    %shift_right_logical3A_91 = arith.constant 16 : i32
    %shift_right_logical3A_92 = vector.broadcast %shift_right_logical3A_91 : i32 to vector<16x64xi32>
    %shift_right_logical3A_93 = arith.shrui %bitcast_convert_type3A_85, %shift_right_logical3A_92 : vector<16x64xi32>
    %and3A_94 = arith.constant 1 : i32
    %and3A_95 = vector.broadcast %and3A_94 : i32 to vector<16x64xi32>
    %and3A_96 = arith.andi %shift_right_logical3A_93, %and3A_95 : vector<16x64xi32>
    %add3A_97 = arith.addi %add3A_90, %and3A_96 : vector<16x64xi32>
    %shift_right_logical3A_98 = arith.constant 16 : i32
    %shift_right_logical3A_99 = vector.broadcast %shift_right_logical3A_98 : i32 to vector<16x64xi32>
    %shift_right_logical3A_100 = arith.shrui %add3A_97, %shift_right_logical3A_99 : vector<16x64xi32>
    %add3A_101 = arith.constant 32767 : i32
    %add3A_102 = vector.broadcast %add3A_101 : i32 to vector<16x64xi32>
    %add3A_103 = arith.addi %bitcast_convert_type3A_87, %add3A_102 : vector<16x64xi32>
    %shift_right_logical3A_104 = arith.constant 16 : i32
    %shift_right_logical3A_105 = vector.broadcast %shift_right_logical3A_104 : i32 to vector<16x64xi32>
    %shift_right_logical3A_106 = arith.shrui %bitcast_convert_type3A_87, %shift_right_logical3A_105 : vector<16x64xi32>
    %and3A_107 = arith.constant 1 : i32
    %and3A_108 = vector.broadcast %and3A_107 : i32 to vector<16x64xi32>
    %and3A_109 = arith.andi %shift_right_logical3A_106, %and3A_108 : vector<16x64xi32>
    %add3A_110 = arith.addi %add3A_103, %and3A_109 : vector<16x64xi32>
    %shift_right_logical3A_111 = arith.constant 16 : i32
    %shift_right_logical3A_112 = vector.broadcast %shift_right_logical3A_111 : i32 to vector<16x64xi32>
    %shift_right_logical3A_113 = arith.shrui %add3A_110, %shift_right_logical3A_112 : vector<16x64xi32>
    %shift_left3A_114 = arith.constant 16 : i32
    %shift_left3A_115 = vector.broadcast %shift_left3A_114 : i32 to vector<16x64xi32>
    %shift_left3A_116 = arith.shli %shift_right_logical3A_113, %shift_left3A_115 : vector<16x64xi32>
    %or3A_117 = arith.ori %shift_right_logical3A_100, %shift_left3A_116 : vector<16x64xi32>
    %bitcast_convert_type3A_118 = tpu.bitcast %or3A_117 : vector<16x64xi32> -> vector<16x64xi32>
    %swap3A_119 = arith.constant 32 : index
    %swap3A_120 = arith.constant 0 : index
    %swap3A_121 = vector.load %arg2[%swap3A_119, %swap3A_120] : memref<256x64xi32, #tpu.memory_space<vmem>>, vector<16x64xi32>
    tpu.vector_store %arg2[%swap3A_119, %swap3A_120], %bitcast_convert_type3A_118 {strides = array<i32>} : memref<256x64xi32, #tpu.memory_space<vmem>>, vector<16x64xi32>,
    %get3A_122 = arith.constant 0 : index
    %get3A_123 = arith.constant 384 : index
    %get3A_124 = vector.load %arg1[%get3A_122, %get3A_123] : memref<128x2048xf32, #tpu.memory_space<vmem>>, vector<128x128xf32>
    %dot_general3A_125 = arith.constant dense<0.000000e+00> : vector<16x128xf32>
    %dot_general3A_126 = tpu.matmul %get3A_1, %get3A_124, %dot_general3A_125 {dimension_numbers = #tpu.dot_dimension_numbers<[1], [1], [0], [0], [0, 0, 1, 0], [], []>, transpose_lhs_hint = false} : vector<16x128xf32>, vector<128x128xf32>, vector<16x128xf32> -> vector<16x128xf32>
    %slice3A_127 = vector.extract_strided_slice %dot_general3A_126 {offsets = [0, 0], sizes = [16, 64], strides = [1, 1]} : vector<16x128xf32> to vector<16x64xf32>
    %bitcast_convert_type3A_128 = tpu.bitcast %slice3A_127 : vector<16x64xf32> -> vector<16x64xi32>
    %slice3A_129 = vector.extract_strided_slice %dot_general3A_126 {offsets = [0, 64], sizes = [16, 64], strides = [1, 1]} : vector<16x128xf32> to vector<16x64xf32>
    %bitcast_convert_type3A_130 = tpu.bitcast %slice3A_129 : vector<16x64xf32> -> vector<16x64xi32>
    %add3A_131 = arith.constant 32767 : i32
    %add3A_132 = vector.broadcast %add3A_131 : i32 to vector<16x64xi32>
    %add3A_133 = arith.addi %bitcast_convert_type3A_128, %add3A_132 : vector<16x64xi32>
    %shift_right_logical3A_134 = arith.constant 16 : i32
    %shift_right_logical3A_135 = vector.broadcast %shift_right_logical3A_134 : i32 to vector<16x64xi32>
    %shift_right_logical3A_136 = arith.shrui %bitcast_convert_type3A_128, %shift_right_logical3A_135 : vector<16x64xi32>
    %and3A_137 = arith.constant 1 : i32
    %and3A_138 = vector.broadcast %and3A_137 : i32 to vector<16x64xi32>
    %and3A_139 = arith.andi %shift_right_logical3A_136, %and3A_138 : vector<16x64xi32>
    %add3A_140 = arith.addi %add3A_133, %and3A_139 : vector<16x64xi32>
    %shift_right_logical3A_141 = arith.constant 16 : i32
    %shift_right_logical3A_142 = vector.broadcast %shift_right_logical3A_141 : i32 to vector<16x64xi32>
    %shift_right_logical3A_143 = arith.shrui %add3A_140, %shift_right_logical3A_142 : vector<16x64xi32>
    %add3A_144 = arith.constant 32767 : i32
    %add3A_145 = vector.broadcast %add3A_144 : i32 to vector<16x64xi32>
    %add3A_146 = arith.addi %bitcast_convert_type3A_130, %add3A_145 : vector<16x64xi32>
    %shift_right_logical3A_147 = arith.constant 16 : i32
    %shift_right_logical3A_148 = vector.broadcast %shift_right_logical3A_147 : i32 to vector<16x64xi32>
    %shift_right_logical3A_149 = arith.shrui %bitcast_convert_type3A_130, %shift_right_logical3A_148 : vector<16x64xi32>
    %and3A_150 = arith.constant 1 : i32
    %and3A_151 = vector.broadcast %and3A_150 : i32 to vector<16x64xi32>
    %and3A_152 = arith.andi %shift_right_logical3A_149, %and3A_151 : vector<16x64xi32>
    %add3A_153 = arith.addi %add3A_146, %and3A_152 : vector<16x64xi32>
    %shift_right_logical3A_154 = arith.constant 16 : i32
    %shift_right_logical3A_155 = vector.broadcast %shift_right_logical3A_154 : i32 to vector<16x64xi32>
    %shift_right_logical3A_156 = arith.shrui %add3A_153, %shift_right_logical3A_155 : vector<16x64xi32>
    %shift_left3A_157 = arith.constant 16 : i32
    %shift_left3A_158 = vector.broadcast %shift_left3A_157 : i32 to vector<16x64xi32>
    %shift_left3A_159 = arith.shli %shift_right_logical3A_156, %shift_left3A_158 : vector<16x64xi32>
    %or3A_160 = arith.ori %shift_right_logical3A_143, %shift_left3A_159 : vector<16x64xi32>
    %bitcast_convert_type3A_161 = tpu.bitcast %or3A_160 : vector<16x64xi32> -> vector<16x64xi32>
    %swap3A_162 = arith.constant 48 : index
    %swap3A_163 = arith.constant 0 : index
    %swap3A_164 = vector.load %arg2[%swap3A_162, %swap3A_163] : memref<256x64xi32, #tpu.memory_space<vmem>>, vector<16x64xi32>
    tpu.vector_store %arg2[%swap3A_162, %swap3A_163], %bitcast_convert_type3A_161 {strides = array<i32>} : memref<256x64xi32, #tpu.memory_space<vmem>>, vector<16x64xi32>,
    %get3A_165 = arith.constant 0 : index
    %get3A_166 = arith.constant 512 : index
    %get3A_167 = vector.load %arg1[%get3A_165, %get3A_166] : memref<128x2048xf32, #tpu.memory_space<vmem>>, vector<128x128xf32>
    %dot_general3A_168 = arith.constant dense<0.000000e+00> : vector<16x128xf32>
    %dot_general3A_169 = tpu.matmul %get3A_1, %get3A_167, %dot_general3A_168 {dimension_numbers = #tpu.dot_dimension_numbers<[1], [1], [0], [0], [0, 0, 1, 0], [], []>, transpose_lhs_hint = false} : vector<16x128xf32>, vector<128x128xf32>, vector<16x128xf32> -> vector<16x128xf32>
    %slice3A_170 = vector.extract_strided_slice %dot_general3A_169 {offsets = [0, 0], sizes = [16, 64], strides = [1, 1]} : vector<16x128xf32> to vector<16x64xf32>
    %bitcast_convert_type3A_171 = tpu.bitcast %slice3A_170 : vector<16x64xf32> -> vector<16x64xi32>
    %slice3A_172 = vector.extract_strided_slice %dot_general3A_169 {offsets = [0, 64], sizes = [16, 64], strides = [1, 1]} : vector<16x128xf32> to vector<16x64xf32>
    %bitcast_convert_type3A_173 = tpu.bitcast %slice3A_172 : vector<16x64xf32> -> vector<16x64xi32>
    %add3A_174 = arith.constant 32767 : i32
    %add3A_175 = vector.broadcast %add3A_174 : i32 to vector<16x64xi32>
    %add3A_176 = arith.addi %bitcast_convert_type3A_171, %add3A_175 : vector<16x64xi32>
    %shift_right_logical3A_177 = arith.constant 16 : i32
    %shift_right_logical3A_178 = vector.broadcast %shift_right_logical3A_177 : i32 to vector<16x64xi32>
    %shift_right_logical3A_179 = arith.shrui %bitcast_convert_type3A_171, %shift_right_logical3A_178 : vector<16x64xi32>
    %and3A_180 = arith.constant 1 : i32
    %and3A_181 = vector.broadcast %and3A_180 : i32 to vector<16x64xi32>
    %and3A_182 = arith.andi %shift_right_logical3A_179, %and3A_181 : vector<16x64xi32>
    %add3A_183 = arith.addi %add3A_176, %and3A_182 : vector<16x64xi32>
    %shift_right_logical3A_184 = arith.constant 16 : i32
    %shift_right_logical3A_185 = vector.broadcast %shift_right_logical3A_184 : i32 to vector<16x64xi32>
    %shift_right_logical3A_186 = arith.shrui %add3A_183, %shift_right_logical3A_185 : vector<16x64xi32>
    %add3A_187 = arith.constant 32767 : i32
    %add3A_188 = vector.broadcast %add3A_187 : i32 to vector<16x64xi32>
    %add3A_189 = arith.addi %bitcast_convert_type3A_173, %add3A_188 : vector<16x64xi32>
    %shift_right_logical3A_190 = arith.constant 16 : i32
    %shift_right_logical3A_191 = vector.broadcast %shift_right_logical3A_190 : i32 to vector<16x64xi32>
    %shift_right_logical3A_192 = arith.shrui %bitcast_convert_type3A_173, %shift_right_logical3A_191 : vector<16x64xi32>
    %and3A_193 = arith.constant 1 : i32
    %and3A_194 = vector.broadcast %and3A_193 : i32 to vector<16x64xi32>
    %and3A_195 = arith.andi %shift_right_logical3A_192, %and3A_194 : vector<16x64xi32>
    %add3A_196 = arith.addi %add3A_189, %and3A_195 : vector<16x64xi32>
    %shift_right_logical3A_197 = arith.constant 16 : i32
    %shift_right_logical3A_198 = vector.broadcast %shift_right_logical3A_197 : i32 to vector<16x64xi32>
    %shift_right_logical3A_199 = arith.shrui %add3A_196, %shift_right_logical3A_198 : vector<16x64xi32>
    %shift_left3A_200 = arith.constant 16 : i32
    %shift_left3A_201 = vector.broadcast %shift_left3A_200 : i32 to vector<16x64xi32>
    %shift_left3A_202 = arith.shli %shift_right_logical3A_199, %shift_left3A_201 : vector<16x64xi32>
    %or3A_203 = arith.ori %shift_right_logical3A_186, %shift_left3A_202 : vector<16x64xi32>
    %bitcast_convert_type3A_204 = tpu.bitcast %or3A_203 : vector<16x64xi32> -> vector<16x64xi32>
    %swap3A_205 = arith.constant 64 : index
    %swap3A_206 = arith.constant 0 : index
    %swap3A_207 = vector.load %arg2[%swap3A_205, %swap3A_206] : memref<256x64xi32, #tpu.memory_space<vmem>>, vector<16x64xi32>
    tpu.vector_store %arg2[%swap3A_205, %swap3A_206], %bitcast_convert_type3A_204 {strides = array<i32>} : memref<256x64xi32, #tpu.memory_space<vmem>>, vector<16x64xi32>,
    %get3A_208 = arith.constant 0 : index
    %get3A_209 = arith.constant 640 : index
    %get3A_210 = vector.load %arg1[%get3A_208, %get3A_209] : memref<128x2048xf32, #tpu.memory_space<vmem>>, vector<128x128xf32>
    %dot_general3A_211 = arith.constant dense<0.000000e+00> : vector<16x128xf32>
    %dot_general3A_212 = tpu.matmul %get3A_1, %get3A_210, %dot_general3A_211 {dimension_numbers = #tpu.dot_dimension_numbers<[1], [1], [0], [0], [0, 0, 1, 0], [], []>, transpose_lhs_hint = false} : vector<16x128xf32>, vector<128x128xf32>, vector<16x128xf32> -> vector<16x128xf32>
    %slice3A_213 = vector.extract_strided_slice %dot_general3A_212 {offsets = [0, 0], sizes = [16, 64], strides = [1, 1]} : vector<16x128xf32> to vector<16x64xf32>
    %bitcast_convert_type3A_214 = tpu.bitcast %slice3A_213 : vector<16x64xf32> -> vector<16x64xi32>
    %slice3A_215 = vector.extract_strided_slice %dot_general3A_212 {offsets = [0, 64], sizes = [16, 64], strides = [1, 1]} : vector<16x128xf32> to vector<16x64xf32>
    %bitcast_convert_type3A_216 = tpu.bitcast %slice3A_215 : vector<16x64xf32> -> vector<16x64xi32>
    %add3A_217 = arith.constant 32767 : i32
    %add3A_218 = vector.broadcast %add3A_217 : i32 to vector<16x64xi32>
    %add3A_219 = arith.addi %bitcast_convert_type3A_214, %add3A_218 : vector<16x64xi32>
    %shift_right_logical3A_220 = arith.constant 16 : i32
    %shift_right_logical3A_221 = vector.broadcast %shift_right_logical3A_220 : i32 to vector<16x64xi32>
    %shift_right_logical3A_222 = arith.shrui %bitcast_convert_type3A_214, %shift_right_logical3A_221 : vector<16x64xi32>
    %and3A_223 = arith.constant 1 : i32
    %and3A_224 = vector.broadcast %and3A_223 : i32 to vector<16x64xi32>
    %and3A_225 = arith.andi %shift_right_logical3A_222, %and3A_224 : vector<16x64xi32>
    %add3A_226 = arith.addi %add3A_219, %and3A_225 : vector<16x64xi32>
    %shift_right_logical3A_227 = arith.constant 16 : i32
    %shift_right_logical3A_228 = vector.broadcast %shift_right_logical3A_227 : i32 to vector<16x64xi32>
    %shift_right_logical3A_229 = arith.shrui %add3A_226, %shift_right_logical3A_228 : vector<16x64xi32>
    %add3A_230 = arith.constant 32767 : i32
    %add3A_231 = vector.broadcast %add3A_230 : i32 to vector<16x64xi32>
    %add3A_232 = arith.addi %bitcast_convert_type3A_216, %add3A_231 : vector<16x64xi32>
    %shift_right_logical3A_233 = arith.constant 16 : i32
    %shift_right_logical3A_234 = vector.broadcast %shift_right_logical3A_233 : i32 to vector<16x64xi32>
    %shift_right_logical3A_235 = arith.shrui %bitcast_convert_type3A_216, %shift_right_logical3A_234 : vector<16x64xi32>
    %and3A_236 = arith.constant 1 : i32
    %and3A_237 = vector.broadcast %and3A_236 : i32 to vector<16x64xi32>
    %and3A_238 = arith.andi %shift_right_logical3A_235, %and3A_237 : vector<16x64xi32>
    %add3A_239 = arith.addi %add3A_232, %and3A_238 : vector<16x64xi32>
    %shift_right_logical3A_240 = arith.constant 16 : i32
    %shift_right_logical3A_241 = vector.broadcast %shift_right_logical3A_240 : i32 to vector<16x64xi32>
    %shift_right_logical3A_242 = arith.shrui %add3A_239, %shift_right_logical3A_241 : vector<16x64xi32>
    %shift_left3A_243 = arith.constant 16 : i32
    %shift_left3A_244 = vector.broadcast %shift_left3A_243 : i32 to vector<16x64xi32>
    %shift_left3A_245 = arith.shli %shift_right_logical3A_242, %shift_left3A_244 : vector<16x64xi32>
    %or3A_246 = arith.ori %shift_right_logical3A_229, %shift_left3A_245 : vector<16x64xi32>
    %bitcast_convert_type3A_247 = tpu.bitcast %or3A_246 : vector<16x64xi32> -> vector<16x64xi32>
    %swap3A_248 = arith.constant 80 : index
    %swap3A_249 = arith.constant 0 : index
    %swap3A_250 = vector.load %arg2[%swap3A_248, %swap3A_249] : memref<256x64xi32, #tpu.memory_space<vmem>>, vector<16x64xi32>
    tpu.vector_store %arg2[%swap3A_248, %swap3A_249], %bitcast_convert_type3A_247 {strides = array<i32>} : memref<256x64xi32, #tpu.memory_space<vmem>>, vector<16x64xi32>,
    %get3A_251 = arith.constant 0 : index
    %get3A_252 = arith.constant 768 : index
    %get3A_253 = vector.load %arg1[%get3A_251, %get3A_252] : memref<128x2048xf32, #tpu.memory_space<vmem>>, vector<128x128xf32>
    %dot_general3A_254 = arith.constant dense<0.000000e+00> : vector<16x128xf32>
    %dot_general3A_255 = tpu.matmul %get3A_1, %get3A_253, %dot_general3A_254 {dimension_numbers = #tpu.dot_dimension_numbers<[1], [1], [0], [0], [0, 0, 1, 0], [], []>, transpose_lhs_hint = false} : vector<16x128xf32>, vector<128x128xf32>, vector<16x128xf32> -> vector<16x128xf32>
    %slice3A_256 = vector.extract_strided_slice %dot_general3A_255 {offsets = [0, 0], sizes = [16, 64], strides = [1, 1]} : vector<16x128xf32> to vector<16x64xf32>
    %bitcast_convert_type3A_257 = tpu.bitcast %slice3A_256 : vector<16x64xf32> -> vector<16x64xi32>
    %slice3A_258 = vector.extract_strided_slice %dot_general3A_255 {offsets = [0, 64], sizes = [16, 64], strides = [1, 1]} : vector<16x128xf32> to vector<16x64xf32>
    %bitcast_convert_type3A_259 = tpu.bitcast %slice3A_258 : vector<16x64xf32> -> vector<16x64xi32>
    %add3A_260 = arith.constant 32767 : i32
    %add3A_261 = vector.broadcast %add3A_260 : i32 to vector<16x64xi32>
    %add3A_262 = arith.addi %bitcast_convert_type3A_257, %add3A_261 : vector<16x64xi32>
    %shift_right_logical3A_263 = arith.constant 16 : i32
    %shift_right_logical3A_264 = vector.broadcast %shift_right_logical3A_263 : i32 to vector<16x64xi32>
    %shift_right_logical3A_265 = arith.shrui %bitcast_convert_type3A_257, %shift_right_logical3A_264 : vector<16x64xi32>
    %and3A_266 = arith.constant 1 : i32
    %and3A_267 = vector.broadcast %and3A_266 : i32 to vector<16x64xi32>
    %and3A_268 = arith.andi %shift_right_logical3A_265, %and3A_267 : vector<16x64xi32>
    %add3A_269 = arith.addi %add3A_262, %and3A_268 : vector<16x64xi32>
    %shift_right_logical3A_270 = arith.constant 16 : i32
    %shift_right_logical3A_271 = vector.broadcast %shift_right_logical3A_270 : i32 to vector<16x64xi32>
    %shift_right_logical3A_272 = arith.shrui %add3A_269, %shift_right_logical3A_271 : vector<16x64xi32>
    %add3A_273 = arith.constant 32767 : i32
    %add3A_274 = vector.broadcast %add3A_273 : i32 to vector<16x64xi32>
    %add3A_275 = arith.addi %bitcast_convert_type3A_259, %add3A_274 : vector<16x64xi32>
    %shift_right_logical3A_276 = arith.constant 16 : i32
    %shift_right_logical3A_277 = vector.broadcast %shift_right_logical3A_276 : i32 to vector<16x64xi32>
    %shift_right_logical3A_278 = arith.shrui %bitcast_convert_type3A_259, %shift_right_logical3A_277 : vector<16x64xi32>
    %and3A_279 = arith.constant 1 : i32
    %and3A_280 = vector.broadcast %and3A_279 : i32 to vector<16x64xi32>
    %and3A_281 = arith.andi %shift_right_logical3A_278, %and3A_280 : vector<16x64xi32>
    %add3A_282 = arith.addi %add3A_275, %and3A_281 : vector<16x64xi32>
    %shift_right_logical3A_283 = arith.constant 16 : i32
    %shift_right_logical3A_284 = vector.broadcast %shift_right_logical3A_283 : i32 to vector<16x64xi32>
    %shift_right_logical3A_285 = arith.shrui %add3A_282, %shift_right_logical3A_284 : vector<16x64xi32>
    %shift_left3A_286 = arith.constant 16 : i32
    %shift_left3A_287 = vector.broadcast %shift_left3A_286 : i32 to vector<16x64xi32>
    %shift_left3A_288 = arith.shli %shift_right_logical3A_285, %shift_left3A_287 : vector<16x64xi32>
    %or3A_289 = arith.ori %shift_right_logical3A_272, %shift_left3A_288 : vector<16x64xi32>
    %bitcast_convert_type3A_290 = tpu.bitcast %or3A_289 : vector<16x64xi32> -> vector<16x64xi32>
    %swap3A_291 = arith.constant 96 : index
    %swap3A_292 = arith.constant 0 : index
    %swap3A_293 = vector.load %arg2[%swap3A_291, %swap3A_292] : memref<256x64xi32, #tpu.memory_space<vmem>>, vector<16x64xi32>
    tpu.vector_store %arg2[%swap3A_291, %swap3A_292], %bitcast_convert_type3A_290 {strides = array<i32>} : memref<256x64xi32, #tpu.memory_space<vmem>>, vector<16x64xi32>,
    %get3A_294 = arith.constant 0 : index
    %get3A_295 = arith.constant 896 : index
    %get3A_296 = vector.load %arg1[%get3A_294, %get3A_295] : memref<128x2048xf32, #tpu.memory_space<vmem>>, vector<128x128xf32>
    %dot_general3A_297 = arith.constant dense<0.000000e+00> : vector<16x128xf32>
    %dot_general3A_298 = tpu.matmul %get3A_1, %get3A_296, %dot_general3A_297 {dimension_numbers = #tpu.dot_dimension_numbers<[1], [1], [0], [0], [0, 0, 1, 0], [], []>, transpose_lhs_hint = false} : vector<16x128xf32>, vector<128x128xf32>, vector<16x128xf32> -> vector<16x128xf32>
    %slice3A_299 = vector.extract_strided_slice %dot_general3A_298 {offsets = [0, 0], sizes = [16, 64], strides = [1, 1]} : vector<16x128xf32> to vector<16x64xf32>
    %bitcast_convert_type3A_300 = tpu.bitcast %slice3A_299 : vector<16x64xf32> -> vector<16x64xi32>
    %slice3A_301 = vector.extract_strided_slice %dot_general3A_298 {offsets = [0, 64], sizes = [16, 64], strides = [1, 1]} : vector<16x128xf32> to vector<16x64xf32>
    %bitcast_convert_type3A_302 = tpu.bitcast %slice3A_301 : vector<16x64xf32> -> vector<16x64xi32>
    %add3A_303 = arith.constant 32767 : i32
    %add3A_304 = vector.broadcast %add3A_303 : i32 to vector<16x64xi32>
    %add3A_305 = arith.addi %bitcast_convert_type3A_300, %add3A_304 : vector<16x64xi32>
    %shift_right_logical3A_306 = arith.constant 16 : i32
    %shift_right_logical3A_307 = vector.broadcast %shift_right_logical3A_306 : i32 to vector<16x64xi32>
    %shift_right_logical3A_308 = arith.shrui %bitcast_convert_type3A_300, %shift_right_logical3A_307 : vector<16x64xi32>
    %and3A_309 = arith.constant 1 : i32
    %and3A_310 = vector.broadcast %and3A_309 : i32 to vector<16x64xi32>
    %and3A_311 = arith.andi %shift_right_logical3A_308, %and3A_310 : vector<16x64xi32>
    %add3A_312 = arith.addi %add3A_305, %and3A_311 : vector<16x64xi32>
    %shift_right_logical3A_313 = arith.constant 16 : i32
    %shift_right_logical3A_314 = vector.broadcast %shift_right_logical3A_313 : i32 to vector<16x64xi32>
    %shift_right_logical3A_315 = arith.shrui %add3A_312, %shift_right_logical3A_314 : vector<16x64xi32>
    %add3A_316 = arith.constant 32767 : i32
    %add3A_317 = vector.broadcast %add3A_316 : i32 to vector<16x64xi32>
    %add3A_318 = arith.addi %bitcast_convert_type3A_302, %add3A_317 : vector<16x64xi32>
    %shift_right_logical3A_319 = arith.constant 16 : i32
    %shift_right_logical3A_320 = vector.broadcast %shift_right_logical3A_319 : i32 to vector<16x64xi32>
    %shift_right_logical3A_321 = arith.shrui %bitcast_convert_type3A_302, %shift_right_logical3A_320 : vector<16x64xi32>
    %and3A_322 = arith.constant 1 : i32
    %and3A_323 = vector.broadcast %and3A_322 : i32 to vector<16x64xi32>
    %and3A_324 = arith.andi %shift_right_logical3A_321, %and3A_323 : vector<16x64xi32>
    %add3A_325 = arith.addi %add3A_318, %and3A_324 : vector<16x64xi32>
    %shift_right_logical3A_326 = arith.constant 16 : i32
    %shift_right_logical3A_327 = vector.broadcast %shift_right_logical3A_326 : i32 to vector<16x64xi32>
    %shift_right_logical3A_328 = arith.shrui %add3A_325, %shift_right_logical3A_327 : vector<16x64xi32>
    %shift_left3A_329 = arith.constant 16 : i32
    %shift_left3A_330 = vector.broadcast %shift_left3A_329 : i32 to vector<16x64xi32>
    %shift_left3A_331 = arith.shli %shift_right_logical3A_328, %shift_left3A_330 : vector<16x64xi32>
    %or3A_332 = arith.ori %shift_right_logical3A_315, %shift_left3A_331 : vector<16x64xi32>
    %bitcast_convert_type3A_333 = tpu.bitcast %or3A_332 : vector<16x64xi32> -> vector<16x64xi32>
    %swap3A_334 = arith.constant 112 : index
    %swap3A_335 = arith.constant 0 : index
    %swap3A_336 = vector.load %arg2[%swap3A_334, %swap3A_335] : memref<256x64xi32, #tpu.memory_space<vmem>>, vector<16x64xi32>
    tpu.vector_store %arg2[%swap3A_334, %swap3A_335], %bitcast_convert_type3A_333 {strides = array<i32>} : memref<256x64xi32, #tpu.memory_space<vmem>>, vector<16x64xi32>,
    %get3A_337 = arith.constant 0 : index
    %get3A_338 = arith.constant 1024 : index
    %get3A_339 = vector.load %arg1[%get3A_337, %get3A_338] : memref<128x2048xf32, #tpu.memory_space<vmem>>, vector<128x128xf32>
    %dot_general3A_340 = arith.constant dense<0.000000e+00> : vector<16x128xf32>
    %dot_general3A_341 = tpu.matmul %get3A_1, %get3A_339, %dot_general3A_340 {dimension_numbers = #tpu.dot_dimension_numbers<[1], [1], [0], [0], [0, 0, 1, 0], [], []>, transpose_lhs_hint = false} : vector<16x128xf32>, vector<128x128xf32>, vector<16x128xf32> -> vector<16x128xf32>
    %slice3A_342 = vector.extract_strided_slice %dot_general3A_341 {offsets = [0, 0], sizes = [16, 64], strides = [1, 1]} : vector<16x128xf32> to vector<16x64xf32>
    %bitcast_convert_type3A_343 = tpu.bitcast %slice3A_342 : vector<16x64xf32> -> vector<16x64xi32>
    %slice3A_344 = vector.extract_strided_slice %dot_general3A_341 {offsets = [0, 64], sizes = [16, 64], strides = [1, 1]} : vector<16x128xf32> to vector<16x64xf32>
    %bitcast_convert_type3A_345 = tpu.bitcast %slice3A_344 : vector<16x64xf32> -> vector<16x64xi32>
    %add3A_346 = arith.constant 32767 : i32
    %add3A_347 = vector.broadcast %add3A_346 : i32 to vector<16x64xi32>
    %add3A_348 = arith.addi %bitcast_convert_type3A_343, %add3A_347 : vector<16x64xi32>
    %shift_right_logical3A_349 = arith.constant 16 : i32
    %shift_right_logical3A_350 = vector.broadcast %shift_right_logical3A_349 : i32 to vector<16x64xi32>
    %shift_right_logical3A_351 = arith.shrui %bitcast_convert_type3A_343, %shift_right_logical3A_350 : vector<16x64xi32>
    %and3A_352 = arith.constant 1 : i32
    %and3A_353 = vector.broadcast %and3A_352 : i32 to vector<16x64xi32>
    %and3A_354 = arith.andi %shift_right_logical3A_351, %and3A_353 : vector<16x64xi32>
    %add3A_355 = arith.addi %add3A_348, %and3A_354 : vector<16x64xi32>
    %shift_right_logical3A_356 = arith.constant 16 : i32
    %shift_right_logical3A_357 = vector.broadcast %shift_right_logical3A_356 : i32 to vector<16x64xi32>
    %shift_right_logical3A_358 = arith.shrui %add3A_355, %shift_right_logical3A_357 : vector<16x64xi32>
    %add3A_359 = arith.constant 32767 : i32
    %add3A_360 = vector.broadcast %add3A_359 : i32 to vector<16x64xi32>
    %add3A_361 = arith.addi %bitcast_convert_type3A_345, %add3A_360 : vector<16x64xi32>
    %shift_right_logical3A_362 = arith.constant 16 : i32
    %shift_right_logical3A_363 = vector.broadcast %shift_right_logical3A_362 : i32 to vector<16x64xi32>
    %shift_right_logical3A_364 = arith.shrui %bitcast_convert_type3A_345, %shift_right_logical3A_363 : vector<16x64xi32>
    %and3A_365 = arith.constant 1 : i32
    %and3A_366 = vector.broadcast %and3A_365 : i32 to vector<16x64xi32>
    %and3A_367 = arith.andi %shift_right_logical3A_364, %and3A_366 : vector<16x64xi32>
    %add3A_368 = arith.addi %add3A_361, %and3A_367 : vector<16x64xi32>
    %shift_right_logical3A_369 = arith.constant 16 : i32
    %shift_right_logical3A_370 = vector.broadcast %shift_right_logical3A_369 : i32 to vector<16x64xi32>
    %shift_right_logical3A_371 = arith.shrui %add3A_368, %shift_right_logical3A_370 : vector<16x64xi32>
    %shift_left3A_372 = arith.constant 16 : i32
    %shift_left3A_373 = vector.broadcast %shift_left3A_372 : i32 to vector<16x64xi32>
    %shift_left3A_374 = arith.shli %shift_right_logical3A_371, %shift_left3A_373 : vector<16x64xi32>
    %or3A_375 = arith.ori %shift_right_logical3A_358, %shift_left3A_374 : vector<16x64xi32>
    %bitcast_convert_type3A_376 = tpu.bitcast %or3A_375 : vector<16x64xi32> -> vector<16x64xi32>
    %swap3A_377 = arith.constant 128 : index
    %swap3A_378 = arith.constant 0 : index
    %swap3A_379 = vector.load %arg2[%swap3A_377, %swap3A_378] : memref<256x64xi32, #tpu.memory_space<vmem>>, vector<16x64xi32>
    tpu.vector_store %arg2[%swap3A_377, %swap3A_378], %bitcast_convert_type3A_376 {strides = array<i32>} : memref<256x64xi32, #tpu.memory_space<vmem>>, vector<16x64xi32>,
    %get3A_380 = arith.constant 0 : index
    %get3A_381 = arith.constant 1152 : index
    %get3A_382 = vector.load %arg1[%get3A_380, %get3A_381] : memref<128x2048xf32, #tpu.memory_space<vmem>>, vector<128x128xf32>
    %dot_general3A_383 = arith.constant dense<0.000000e+00> : vector<16x128xf32>
    %dot_general3A_384 = tpu.matmul %get3A_1, %get3A_382, %dot_general3A_383 {dimension_numbers = #tpu.dot_dimension_numbers<[1], [1], [0], [0], [0, 0, 1, 0], [], []>, transpose_lhs_hint = false} : vector<16x128xf32>, vector<128x128xf32>, vector<16x128xf32> -> vector<16x128xf32>
    %slice3A_385 = vector.extract_strided_slice %dot_general3A_384 {offsets = [0, 0], sizes = [16, 64], strides = [1, 1]} : vector<16x128xf32> to vector<16x64xf32>
    %bitcast_convert_type3A_386 = tpu.bitcast %slice3A_385 : vector<16x64xf32> -> vector<16x64xi32>
    %slice3A_387 = vector.extract_strided_slice %dot_general3A_384 {offsets = [0, 64], sizes = [16, 64], strides = [1, 1]} : vector<16x128xf32> to vector<16x64xf32>
    %bitcast_convert_type3A_388 = tpu.bitcast %slice3A_387 : vector<16x64xf32> -> vector<16x64xi32>
    %add3A_389 = arith.constant 32767 : i32
    %add3A_390 = vector.broadcast %add3A_389 : i32 to vector<16x64xi32>
    %add3A_391 = arith.addi %bitcast_convert_type3A_386, %add3A_390 : vector<16x64xi32>
    %shift_right_logical3A_392 = arith.constant 16 : i32
    %shift_right_logical3A_393 = vector.broadcast %shift_right_logical3A_392 : i32 to vector<16x64xi32>
    %shift_right_logical3A_394 = arith.shrui %bitcast_convert_type3A_386, %shift_right_logical3A_393 : vector<16x64xi32>
    %and3A_395 = arith.constant 1 : i32
    %and3A_396 = vector.broadcast %and3A_395 : i32 to vector<16x64xi32>
    %and3A_397 = arith.andi %shift_right_logical3A_394, %and3A_396 : vector<16x64xi32>
    %add3A_398 = arith.addi %add3A_391, %and3A_397 : vector<16x64xi32>
    %shift_right_logical3A_399 = arith.constant 16 : i32
    %shift_right_logical3A_400 = vector.broadcast %shift_right_logical3A_399 : i32 to vector<16x64xi32>
    %shift_right_logical3A_401 = arith.shrui %add3A_398, %shift_right_logical3A_400 : vector<16x64xi32>
    %add3A_402 = arith.constant 32767 : i32
    %add3A_403 = vector.broadcast %add3A_402 : i32 to vector<16x64xi32>
    %add3A_404 = arith.addi %bitcast_convert_type3A_388, %add3A_403 : vector<16x64xi32>
    %shift_right_logical3A_405 = arith.constant 16 : i32
    %shift_right_logical3A_406 = vector.broadcast %shift_right_logical3A_405 : i32 to vector<16x64xi32>
    %shift_right_logical3A_407 = arith.shrui %bitcast_convert_type3A_388, %shift_right_logical3A_406 : vector<16x64xi32>
    %and3A_408 = arith.constant 1 : i32
    %and3A_409 = vector.broadcast %and3A_408 : i32 to vector<16x64xi32>
    %and3A_410 = arith.andi %shift_right_logical3A_407, %and3A_409 : vector<16x64xi32>
    %add3A_411 = arith.addi %add3A_404, %and3A_410 : vector<16x64xi32>
    %shift_right_logical3A_412 = arith.constant 16 : i32
    %shift_right_logical3A_413 = vector.broadcast %shift_right_logical3A_412 : i32 to vector<16x64xi32>
    %shift_right_logical3A_414 = arith.shrui %add3A_411, %shift_right_logical3A_413 : vector<16x64xi32>
    %shift_left3A_415 = arith.constant 16 : i32
    %shift_left3A_416 = vector.broadcast %shift_left3A_415 : i32 to vector<16x64xi32>
    %shift_left3A_417 = arith.shli %shift_right_logical3A_414, %shift_left3A_416 : vector<16x64xi32>
    %or3A_418 = arith.ori %shift_right_logical3A_401, %shift_left3A_417 : vector<16x64xi32>
    %bitcast_convert_type3A_419 = tpu.bitcast %or3A_418 : vector<16x64xi32> -> vector<16x64xi32>
    %swap3A_420 = arith.constant 144 : index
    %swap3A_421 = arith.constant 0 : index
    %swap3A_422 = vector.load %arg2[%swap3A_420, %swap3A_421] : memref<256x64xi32, #tpu.memory_space<vmem>>, vector<16x64xi32>
    tpu.vector_store %arg2[%swap3A_420, %swap3A_421], %bitcast_convert_type3A_419 {strides = array<i32>} : memref<256x64xi32, #tpu.memory_space<vmem>>, vector<16x64xi32>,
    %get3A_423 = arith.constant 0 : index
    %get3A_424 = arith.constant 1280 : index
    %get3A_425 = vector.load %arg1[%get3A_423, %get3A_424] : memref<128x2048xf32, #tpu.memory_space<vmem>>, vector<128x128xf32>
    %dot_general3A_426 = arith.constant dense<0.000000e+00> : vector<16x128xf32>
    %dot_general3A_427 = tpu.matmul %get3A_1, %get3A_425, %dot_general3A_426 {dimension_numbers = #tpu.dot_dimension_numbers<[1], [1], [0], [0], [0, 0, 1, 0], [], []>, transpose_lhs_hint = false} : vector<16x128xf32>, vector<128x128xf32>, vector<16x128xf32> -> vector<16x128xf32>
    %slice3A_428 = vector.extract_strided_slice %dot_general3A_427 {offsets = [0, 0], sizes = [16, 64], strides = [1, 1]} : vector<16x128xf32> to vector<16x64xf32>
    %bitcast_convert_type3A_429 = tpu.bitcast %slice3A_428 : vector<16x64xf32> -> vector<16x64xi32>
    %slice3A_430 = vector.extract_strided_slice %dot_general3A_427 {offsets = [0, 64], sizes = [16, 64], strides = [1, 1]} : vector<16x128xf32> to vector<16x64xf32>
    %bitcast_convert_type3A_431 = tpu.bitcast %slice3A_430 : vector<16x64xf32> -> vector<16x64xi32>
    %add3A_432 = arith.constant 32767 : i32
    %add3A_433 = vector.broadcast %add3A_432 : i32 to vector<16x64xi32>
    %add3A_434 = arith.addi %bitcast_convert_type3A_429, %add3A_433 : vector<16x64xi32>
    %shift_right_logical3A_435 = arith.constant 16 : i32
    %shift_right_logical3A_436 = vector.broadcast %shift_right_logical3A_435 : i32 to vector<16x64xi32>
    %shift_right_logical3A_437 = arith.shrui %bitcast_convert_type3A_429, %shift_right_logical3A_436 : vector<16x64xi32>
    %and3A_438 = arith.constant 1 : i32
    %and3A_439 = vector.broadcast %and3A_438 : i32 to vector<16x64xi32>
    %and3A_440 = arith.andi %shift_right_logical3A_437, %and3A_439 : vector<16x64xi32>
    %add3A_441 = arith.addi %add3A_434, %and3A_440 : vector<16x64xi32>
    %shift_right_logical3A_442 = arith.constant 16 : i32
    %shift_right_logical3A_443 = vector.broadcast %shift_right_logical3A_442 : i32 to vector<16x64xi32>
    %shift_right_logical3A_444 = arith.shrui %add3A_441, %shift_right_logical3A_443 : vector<16x64xi32>
    %add3A_445 = arith.constant 32767 : i32
    %add3A_446 = vector.broadcast %add3A_445 : i32 to vector<16x64xi32>
    %add3A_447 = arith.addi %bitcast_convert_type3A_431, %add3A_446 : vector<16x64xi32>
    %shift_right_logical3A_448 = arith.constant 16 : i32
    %shift_right_logical3A_449 = vector.broadcast %shift_right_logical3A_448 : i32 to vector<16x64xi32>
    %shift_right_logical3A_450 = arith.shrui %bitcast_convert_type3A_431, %shift_right_logical3A_449 : vector<16x64xi32>
    %and3A_451 = arith.constant 1 : i32
    %and3A_452 = vector.broadcast %and3A_451 : i32 to vector<16x64xi32>
    %and3A_453 = arith.andi %shift_right_logical3A_450, %and3A_452 : vector<16x64xi32>
    %add3A_454 = arith.addi %add3A_447, %and3A_453 : vector<16x64xi32>
    %shift_right_logical3A_455 = arith.constant 16 : i32
    %shift_right_logical3A_456 = vector.broadcast %shift_right_logical3A_455 : i32 to vector<16x64xi32>
    %shift_right_logical3A_457 = arith.shrui %add3A_454, %shift_right_logical3A_456 : vector<16x64xi32>
    %shift_left3A_458 = arith.constant 16 : i32
    %shift_left3A_459 = vector.broadcast %shift_left3A_458 : i32 to vector<16x64xi32>
    %shift_left3A_460 = arith.shli %shift_right_logical3A_457, %shift_left3A_459 : vector<16x64xi32>
    %or3A_461 = arith.ori %shift_right_logical3A_444, %shift_left3A_460 : vector<16x64xi32>
    %bitcast_convert_type3A_462 = tpu.bitcast %or3A_461 : vector<16x64xi32> -> vector<16x64xi32>
    %swap3A_463 = arith.constant 160 : index
    %swap3A_464 = arith.constant 0 : index
    %swap3A_465 = vector.load %arg2[%swap3A_463, %swap3A_464] : memref<256x64xi32, #tpu.memory_space<vmem>>, vector<16x64xi32>
    tpu.vector_store %arg2[%swap3A_463, %swap3A_464], %bitcast_convert_type3A_462 {strides = array<i32>} : memref<256x64xi32, #tpu.memory_space<vmem>>, vector<16x64xi32>,
    %get3A_466 = arith.constant 0 : index
    %get3A_467 = arith.constant 1408 : index
    %get3A_468 = vector.load %arg1[%get3A_466, %get3A_467] : memref<128x2048xf32, #tpu.memory_space<vmem>>, vector<128x128xf32>
    %dot_general3A_469 = arith.constant dense<0.000000e+00> : vector<16x128xf32>
    %dot_general3A_470 = tpu.matmul %get3A_1, %get3A_468, %dot_general3A_469 {dimension_numbers = #tpu.dot_dimension_numbers<[1], [1], [0], [0], [0, 0, 1, 0], [], []>, transpose_lhs_hint = false} : vector<16x128xf32>, vector<128x128xf32>, vector<16x128xf32> -> vector<16x128xf32>
    %slice3A_471 = vector.extract_strided_slice %dot_general3A_470 {offsets = [0, 0], sizes = [16, 64], strides = [1, 1]} : vector<16x128xf32> to vector<16x64xf32>
    %bitcast_convert_type3A_472 = tpu.bitcast %slice3A_471 : vector<16x64xf32> -> vector<16x64xi32>
    %slice3A_473 = vector.extract_strided_slice %dot_general3A_470 {offsets = [0, 64], sizes = [16, 64], strides = [1, 1]} : vector<16x128xf32> to vector<16x64xf32>
    %bitcast_convert_type3A_474 = tpu.bitcast %slice3A_473 : vector<16x64xf32> -> vector<16x64xi32>
    %add3A_475 = arith.constant 32767 : i32
    %add3A_476 = vector.broadcast %add3A_475 : i32 to vector<16x64xi32>
    %add3A_477 = arith.addi %bitcast_convert_type3A_472, %add3A_476 : vector<16x64xi32>
    %shift_right_logical3A_478 = arith.constant 16 : i32
    %shift_right_logical3A_479 = vector.broadcast %shift_right_logical3A_478 : i32 to vector<16x64xi32>
    %shift_right_logical3A_480 = arith.shrui %bitcast_convert_type3A_472, %shift_right_logical3A_479 : vector<16x64xi32>
    %and3A_481 = arith.constant 1 : i32
    %and3A_482 = vector.broadcast %and3A_481 : i32 to vector<16x64xi32>
    %and3A_483 = arith.andi %shift_right_logical3A_480, %and3A_482 : vector<16x64xi32>
    %add3A_484 = arith.addi %add3A_477, %and3A_483 : vector<16x64xi32>
    %shift_right_logical3A_485 = arith.constant 16 : i32
    %shift_right_logical3A_486 = vector.broadcast %shift_right_logical3A_485 : i32 to vector<16x64xi32>
    %shift_right_logical3A_487 = arith.shrui %add3A_484, %shift_right_logical3A_486 : vector<16x64xi32>
    %add3A_488 = arith.constant 32767 : i32
    %add3A_489 = vector.broadcast %add3A_488 : i32 to vector<16x64xi32>
    %add3A_490 = arith.addi %bitcast_convert_type3A_474, %add3A_489 : vector<16x64xi32>
    %shift_right_logical3A_491 = arith.constant 16 : i32
    %shift_right_logical3A_492 = vector.broadcast %shift_right_logical3A_491 : i32 to vector<16x64xi32>
    %shift_right_logical3A_493 = arith.shrui %bitcast_convert_type3A_474, %shift_right_logical3A_492 : vector<16x64xi32>
    %and3A_494 = arith.constant 1 : i32
    %and3A_495 = vector.broadcast %and3A_494 : i32 to vector<16x64xi32>
    %and3A_496 = arith.andi %shift_right_logical3A_493, %and3A_495 : vector<16x64xi32>
    %add3A_497 = arith.addi %add3A_490, %and3A_496 : vector<16x64xi32>
    %shift_right_logical3A_498 = arith.constant 16 : i32
    %shift_right_logical3A_499 = vector.broadcast %shift_right_logical3A_498 : i32 to vector<16x64xi32>
    %shift_right_logical3A_500 = arith.shrui %add3A_497, %shift_right_logical3A_499 : vector<16x64xi32>
    %shift_left3A_501 = arith.constant 16 : i32
    %shift_left3A_502 = vector.broadcast %shift_left3A_501 : i32 to vector<16x64xi32>
    %shift_left3A_503 = arith.shli %shift_right_logical3A_500, %shift_left3A_502 : vector<16x64xi32>
    %or3A_504 = arith.ori %shift_right_logical3A_487, %shift_left3A_503 : vector<16x64xi32>
    %bitcast_convert_type3A_505 = tpu.bitcast %or3A_504 : vector<16x64xi32> -> vector<16x64xi32>
    %swap3A_506 = arith.constant 176 : index
    %swap3A_507 = arith.constant 0 : index
    %swap3A_508 = vector.load %arg2[%swap3A_506, %swap3A_507] : memref<256x64xi32, #tpu.memory_space<vmem>>, vector<16x64xi32>
    tpu.vector_store %arg2[%swap3A_506, %swap3A_507], %bitcast_convert_type3A_505 {strides = array<i32>} : memref<256x64xi32, #tpu.memory_space<vmem>>, vector<16x64xi32>,
    %get3A_509 = arith.constant 0 : index
    %get3A_510 = arith.constant 1536 : index
    %get3A_511 = vector.load %arg1[%get3A_509, %get3A_510] : memref<128x2048xf32, #tpu.memory_space<vmem>>, vector<128x128xf32>
    %dot_general3A_512 = arith.constant dense<0.000000e+00> : vector<16x128xf32>
    %dot_general3A_513 = tpu.matmul %get3A_1, %get3A_511, %dot_general3A_512 {dimension_numbers = #tpu.dot_dimension_numbers<[1], [1], [0], [0], [0, 0, 1, 0], [], []>, transpose_lhs_hint = false} : vector<16x128xf32>, vector<128x128xf32>, vector<16x128xf32> -> vector<16x128xf32>
    %slice3A_514 = vector.extract_strided_slice %dot_general3A_513 {offsets = [0, 0], sizes = [16, 64], strides = [1, 1]} : vector<16x128xf32> to vector<16x64xf32>
    %bitcast_convert_type3A_515 = tpu.bitcast %slice3A_514 : vector<16x64xf32> -> vector<16x64xi32>
    %slice3A_516 = vector.extract_strided_slice %dot_general3A_513 {offsets = [0, 64], sizes = [16, 64], strides = [1, 1]} : vector<16x128xf32> to vector<16x64xf32>
    %bitcast_convert_type3A_517 = tpu.bitcast %slice3A_516 : vector<16x64xf32> -> vector<16x64xi32>
    %add3A_518 = arith.constant 32767 : i32
    %add3A_519 = vector.broadcast %add3A_518 : i32 to vector<16x64xi32>
    %add3A_520 = arith.addi %bitcast_convert_type3A_515, %add3A_519 : vector<16x64xi32>
    %shift_right_logical3A_521 = arith.constant 16 : i32
    %shift_right_logical3A_522 = vector.broadcast %shift_right_logical3A_521 : i32 to vector<16x64xi32>
    %shift_right_logical3A_523 = arith.shrui %bitcast_convert_type3A_515, %shift_right_logical3A_522 : vector<16x64xi32>
    %and3A_524 = arith.constant 1 : i32
    %and3A_525 = vector.broadcast %and3A_524 : i32 to vector<16x64xi32>
    %and3A_526 = arith.andi %shift_right_logical3A_523, %and3A_525 : vector<16x64xi32>
    %add3A_527 = arith.addi %add3A_520, %and3A_526 : vector<16x64xi32>
    %shift_right_logical3A_528 = arith.constant 16 : i32
    %shift_right_logical3A_529 = vector.broadcast %shift_right_logical3A_528 : i32 to vector<16x64xi32>
    %shift_right_logical3A_530 = arith.shrui %add3A_527, %shift_right_logical3A_529 : vector<16x64xi32>
    %add3A_531 = arith.constant 32767 : i32
    %add3A_532 = vector.broadcast %add3A_531 : i32 to vector<16x64xi32>
    %add3A_533 = arith.addi %bitcast_convert_type3A_517, %add3A_532 : vector<16x64xi32>
    %shift_right_logical3A_534 = arith.constant 16 : i32
    %shift_right_logical3A_535 = vector.broadcast %shift_right_logical3A_534 : i32 to vector<16x64xi32>
    %shift_right_logical3A_536 = arith.shrui %bitcast_convert_type3A_517, %shift_right_logical3A_535 : vector<16x64xi32>
    %and3A_537 = arith.constant 1 : i32
    %and3A_538 = vector.broadcast %and3A_537 : i32 to vector<16x64xi32>
    %and3A_539 = arith.andi %shift_right_logical3A_536, %and3A_538 : vector<16x64xi32>
    %add3A_540 = arith.addi %add3A_533, %and3A_539 : vector<16x64xi32>
    %shift_right_logical3A_541 = arith.constant 16 : i32
    %shift_right_logical3A_542 = vector.broadcast %shift_right_logical3A_541 : i32 to vector<16x64xi32>
    %shift_right_logical3A_543 = arith.shrui %add3A_540, %shift_right_logical3A_542 : vector<16x64xi32>
    %shift_left3A_544 = arith.constant 16 : i32
    %shift_left3A_545 = vector.broadcast %shift_left3A_544 : i32 to vector<16x64xi32>
    %shift_left3A_546 = arith.shli %shift_right_logical3A_543, %shift_left3A_545 : vector<16x64xi32>
    %or3A_547 = arith.ori %shift_right_logical3A_530, %shift_left3A_546 : vector<16x64xi32>
    %bitcast_convert_type3A_548 = tpu.bitcast %or3A_547 : vector<16x64xi32> -> vector<16x64xi32>
    %swap3A_549 = arith.constant 192 : index
    %swap3A_550 = arith.constant 0 : index
    %swap3A_551 = vector.load %arg2[%swap3A_549, %swap3A_550] : memref<256x64xi32, #tpu.memory_space<vmem>>, vector<16x64xi32>
    tpu.vector_store %arg2[%swap3A_549, %swap3A_550], %bitcast_convert_type3A_548 {strides = array<i32>} : memref<256x64xi32, #tpu.memory_space<vmem>>, vector<16x64xi32>,
    %get3A_552 = arith.constant 0 : index
    %get3A_553 = arith.constant 1664 : index
    %get3A_554 = vector.load %arg1[%get3A_552, %get3A_553] : memref<128x2048xf32, #tpu.memory_space<vmem>>, vector<128x128xf32>
    %dot_general3A_555 = arith.constant dense<0.000000e+00> : vector<16x128xf32>
    %dot_general3A_556 = tpu.matmul %get3A_1, %get3A_554, %dot_general3A_555 {dimension_numbers = #tpu.dot_dimension_numbers<[1], [1], [0], [0], [0, 0, 1, 0], [], []>, transpose_lhs_hint = false} : vector<16x128xf32>, vector<128x128xf32>, vector<16x128xf32> -> vector<16x128xf32>
    %slice3A_557 = vector.extract_strided_slice %dot_general3A_556 {offsets = [0, 0], sizes = [16, 64], strides = [1, 1]} : vector<16x128xf32> to vector<16x64xf32>
    %bitcast_convert_type3A_558 = tpu.bitcast %slice3A_557 : vector<16x64xf32> -> vector<16x64xi32>
    %slice3A_559 = vector.extract_strided_slice %dot_general3A_556 {offsets = [0, 64], sizes = [16, 64], strides = [1, 1]} : vector<16x128xf32> to vector<16x64xf32>
    %bitcast_convert_type3A_560 = tpu.bitcast %slice3A_559 : vector<16x64xf32> -> vector<16x64xi32>
    %add3A_561 = arith.constant 32767 : i32
    %add3A_562 = vector.broadcast %add3A_561 : i32 to vector<16x64xi32>
    %add3A_563 = arith.addi %bitcast_convert_type3A_558, %add3A_562 : vector<16x64xi32>
    %shift_right_logical3A_564 = arith.constant 16 : i32
    %shift_right_logical3A_565 = vector.broadcast %shift_right_logical3A_564 : i32 to vector<16x64xi32>
    %shift_right_logical3A_566 = arith.shrui %bitcast_convert_type3A_558, %shift_right_logical3A_565 : vector<16x64xi32>
    %and3A_567 = arith.constant 1 : i32
    %and3A_568 = vector.broadcast %and3A_567 : i32 to vector<16x64xi32>
    %and3A_569 = arith.andi %shift_right_logical3A_566, %and3A_568 : vector<16x64xi32>
    %add3A_570 = arith.addi %add3A_563, %and3A_569 : vector<16x64xi32>
    %shift_right_logical3A_571 = arith.constant 16 : i32
    %shift_right_logical3A_572 = vector.broadcast %shift_right_logical3A_571 : i32 to vector<16x64xi32>
    %shift_right_logical3A_573 = arith.shrui %add3A_570, %shift_right_logical3A_572 : vector<16x64xi32>
    %add3A_574 = arith.constant 32767 : i32
    %add3A_575 = vector.broadcast %add3A_574 : i32 to vector<16x64xi32>
    %add3A_576 = arith.addi %bitcast_convert_type3A_560, %add3A_575 : vector<16x64xi32>
    %shift_right_logical3A_577 = arith.constant 16 : i32
    %shift_right_logical3A_578 = vector.broadcast %shift_right_logical3A_577 : i32 to vector<16x64xi32>
    %shift_right_logical3A_579 = arith.shrui %bitcast_convert_type3A_560, %shift_right_logical3A_578 : vector<16x64xi32>
    %and3A_580 = arith.constant 1 : i32
    %and3A_581 = vector.broadcast %and3A_580 : i32 to vector<16x64xi32>
    %and3A_582 = arith.andi %shift_right_logical3A_579, %and3A_581 : vector<16x64xi32>
    %add3A_583 = arith.addi %add3A_576, %and3A_582 : vector<16x64xi32>
    %shift_right_logical3A_584 = arith.constant 16 : i32
    %shift_right_logical3A_585 = vector.broadcast %shift_right_logical3A_584 : i32 to vector<16x64xi32>
    %shift_right_logical3A_586 = arith.shrui %add3A_583, %shift_right_logical3A_585 : vector<16x64xi32>
    %shift_left3A_587 = arith.constant 16 : i32
    %shift_left3A_588 = vector.broadcast %shift_left3A_587 : i32 to vector<16x64xi32>
    %shift_left3A_589 = arith.shli %shift_right_logical3A_586, %shift_left3A_588 : vector<16x64xi32>
    %or3A_590 = arith.ori %shift_right_logical3A_573, %shift_left3A_589 : vector<16x64xi32>
    %bitcast_convert_type3A_591 = tpu.bitcast %or3A_590 : vector<16x64xi32> -> vector<16x64xi32>
    %swap3A_592 = arith.constant 208 : index
    %swap3A_593 = arith.constant 0 : index
    %swap3A_594 = vector.load %arg2[%swap3A_592, %swap3A_593] : memref<256x64xi32, #tpu.memory_space<vmem>>, vector<16x64xi32>
    tpu.vector_store %arg2[%swap3A_592, %swap3A_593], %bitcast_convert_type3A_591 {strides = array<i32>} : memref<256x64xi32, #tpu.memory_space<vmem>>, vector<16x64xi32>,
    %get3A_595 = arith.constant 0 : index
    %get3A_596 = arith.constant 1792 : index
    %get3A_597 = vector.load %arg1[%get3A_595, %get3A_596] : memref<128x2048xf32, #tpu.memory_space<vmem>>, vector<128x128xf32>
    %dot_general3A_598 = arith.constant dense<0.000000e+00> : vector<16x128xf32>
    %dot_general3A_599 = tpu.matmul %get3A_1, %get3A_597, %dot_general3A_598 {dimension_numbers = #tpu.dot_dimension_numbers<[1], [1], [0], [0], [0, 0, 1, 0], [], []>, transpose_lhs_hint = false} : vector<16x128xf32>, vector<128x128xf32>, vector<16x128xf32> -> vector<16x128xf32>
    %slice3A_600 = vector.extract_strided_slice %dot_general3A_599 {offsets = [0, 0], sizes = [16, 64], strides = [1, 1]} : vector<16x128xf32> to vector<16x64xf32>
    %bitcast_convert_type3A_601 = tpu.bitcast %slice3A_600 : vector<16x64xf32> -> vector<16x64xi32>
    %slice3A_602 = vector.extract_strided_slice %dot_general3A_599 {offsets = [0, 64], sizes = [16, 64], strides = [1, 1]} : vector<16x128xf32> to vector<16x64xf32>
    %bitcast_convert_type3A_603 = tpu.bitcast %slice3A_602 : vector<16x64xf32> -> vector<16x64xi32>
    %add3A_604 = arith.constant 32767 : i32
    %add3A_605 = vector.broadcast %add3A_604 : i32 to vector<16x64xi32>
    %add3A_606 = arith.addi %bitcast_convert_type3A_601, %add3A_605 : vector<16x64xi32>
    %shift_right_logical3A_607 = arith.constant 16 : i32
    %shift_right_logical3A_608 = vector.broadcast %shift_right_logical3A_607 : i32 to vector<16x64xi32>
    %shift_right_logical3A_609 = arith.shrui %bitcast_convert_type3A_601, %shift_right_logical3A_608 : vector<16x64xi32>
    %and3A_610 = arith.constant 1 : i32
    %and3A_611 = vector.broadcast %and3A_610 : i32 to vector<16x64xi32>
    %and3A_612 = arith.andi %shift_right_logical3A_609, %and3A_611 : vector<16x64xi32>
    %add3A_613 = arith.addi %add3A_606, %and3A_612 : vector<16x64xi32>
    %shift_right_logical3A_614 = arith.constant 16 : i32
    %shift_right_logical3A_615 = vector.broadcast %shift_right_logical3A_614 : i32 to vector<16x64xi32>
    %shift_right_logical3A_616 = arith.shrui %add3A_613, %shift_right_logical3A_615 : vector<16x64xi32>
    %add3A_617 = arith.constant 32767 : i32
    %add3A_618 = vector.broadcast %add3A_617 : i32 to vector<16x64xi32>
    %add3A_619 = arith.addi %bitcast_convert_type3A_603, %add3A_618 : vector<16x64xi32>
    %shift_right_logical3A_620 = arith.constant 16 : i32
    %shift_right_logical3A_621 = vector.broadcast %shift_right_logical3A_620 : i32 to vector<16x64xi32>
    %shift_right_logical3A_622 = arith.shrui %bitcast_convert_type3A_603, %shift_right_logical3A_621 : vector<16x64xi32>
    %and3A_623 = arith.constant 1 : i32
    %and3A_624 = vector.broadcast %and3A_623 : i32 to vector<16x64xi32>
    %and3A_625 = arith.andi %shift_right_logical3A_622, %and3A_624 : vector<16x64xi32>
    %add3A_626 = arith.addi %add3A_619, %and3A_625 : vector<16x64xi32>
    %shift_right_logical3A_627 = arith.constant 16 : i32
    %shift_right_logical3A_628 = vector.broadcast %shift_right_logical3A_627 : i32 to vector<16x64xi32>
    %shift_right_logical3A_629 = arith.shrui %add3A_626, %shift_right_logical3A_628 : vector<16x64xi32>
    %shift_left3A_630 = arith.constant 16 : i32
    %shift_left3A_631 = vector.broadcast %shift_left3A_630 : i32 to vector<16x64xi32>
    %shift_left3A_632 = arith.shli %shift_right_logical3A_629, %shift_left3A_631 : vector<16x64xi32>
    %or3A_633 = arith.ori %shift_right_logical3A_616, %shift_left3A_632 : vector<16x64xi32>
    %bitcast_convert_type3A_634 = tpu.bitcast %or3A_633 : vector<16x64xi32> -> vector<16x64xi32>
    %swap3A_635 = arith.constant 224 : index
    %swap3A_636 = arith.constant 0 : index
    %swap3A_637 = vector.load %arg2[%swap3A_635, %swap3A_636] : memref<256x64xi32, #tpu.memory_space<vmem>>, vector<16x64xi32>
    tpu.vector_store %arg2[%swap3A_635, %swap3A_636], %bitcast_convert_type3A_634 {strides = array<i32>} : memref<256x64xi32, #tpu.memory_space<vmem>>, vector<16x64xi32>,
    %get3A_638 = arith.constant 0 : index
    %get3A_639 = arith.constant 1920 : index
    %get3A_640 = vector.load %arg1[%get3A_638, %get3A_639] : memref<128x2048xf32, #tpu.memory_space<vmem>>, vector<128x128xf32>
    %dot_general3A_641 = arith.constant dense<0.000000e+00> : vector<16x128xf32>
    %dot_general3A_642 = tpu.matmul %get3A_1, %get3A_640, %dot_general3A_641 {dimension_numbers = #tpu.dot_dimension_numbers<[1], [1], [0], [0], [0, 0, 1, 0], [], []>, transpose_lhs_hint = false} : vector<16x128xf32>, vector<128x128xf32>, vector<16x128xf32> -> vector<16x128xf32>
    %slice3A_643 = vector.extract_strided_slice %dot_general3A_642 {offsets = [0, 0], sizes = [16, 64], strides = [1, 1]} : vector<16x128xf32> to vector<16x64xf32>
    %bitcast_convert_type3A_644 = tpu.bitcast %slice3A_643 : vector<16x64xf32> -> vector<16x64xi32>
    %slice3A_645 = vector.extract_strided_slice %dot_general3A_642 {offsets = [0, 64], sizes = [16, 64], strides = [1, 1]} : vector<16x128xf32> to vector<16x64xf32>
    %bitcast_convert_type3A_646 = tpu.bitcast %slice3A_645 : vector<16x64xf32> -> vector<16x64xi32>
    %add3A_647 = arith.constant 32767 : i32
    %add3A_648 = vector.broadcast %add3A_647 : i32 to vector<16x64xi32>
    %add3A_649 = arith.addi %bitcast_convert_type3A_644, %add3A_648 : vector<16x64xi32>
    %shift_right_logical3A_650 = arith.constant 16 : i32
    %shift_right_logical3A_651 = vector.broadcast %shift_right_logical3A_650 : i32 to vector<16x64xi32>
    %shift_right_logical3A_652 = arith.shrui %bitcast_convert_type3A_644, %shift_right_logical3A_651 : vector<16x64xi32>
    %and3A_653 = arith.constant 1 : i32
    %and3A_654 = vector.broadcast %and3A_653 : i32 to vector<16x64xi32>
    %and3A_655 = arith.andi %shift_right_logical3A_652, %and3A_654 : vector<16x64xi32>
    %add3A_656 = arith.addi %add3A_649, %and3A_655 : vector<16x64xi32>
    %shift_right_logical3A_657 = arith.constant 16 : i32
    %shift_right_logical3A_658 = vector.broadcast %shift_right_logical3A_657 : i32 to vector<16x64xi32>
    %shift_right_logical3A_659 = arith.shrui %add3A_656, %shift_right_logical3A_658 : vector<16x64xi32>
    %add3A_660 = arith.constant 32767 : i32
    %add3A_661 = vector.broadcast %add3A_660 : i32 to vector<16x64xi32>
    %add3A_662 = arith.addi %bitcast_convert_type3A_646, %add3A_661 : vector<16x64xi32>
    %shift_right_logical3A_663 = arith.constant 16 : i32
    %shift_right_logical3A_664 = vector.broadcast %shift_right_logical3A_663 : i32 to vector<16x64xi32>
    %shift_right_logical3A_665 = arith.shrui %bitcast_convert_type3A_646, %shift_right_logical3A_664 : vector<16x64xi32>
    %and3A_666 = arith.constant 1 : i32
    %and3A_667 = vector.broadcast %and3A_666 : i32 to vector<16x64xi32>
    %and3A_668 = arith.andi %shift_right_logical3A_665, %and3A_667 : vector<16x64xi32>
    %add3A_669 = arith.addi %add3A_662, %and3A_668 : vector<16x64xi32>
    %shift_right_logical3A_670 = arith.constant 16 : i32
    %shift_right_logical3A_671 = vector.broadcast %shift_right_logical3A_670 : i32 to vector<16x64xi32>
    %shift_right_logical3A_672 = arith.shrui %add3A_669, %shift_right_logical3A_671 : vector<16x64xi32>
    %shift_left3A_673 = arith.constant 16 : i32
    %shift_left3A_674 = vector.broadcast %shift_left3A_673 : i32 to vector<16x64xi32>
    %shift_left3A_675 = arith.shli %shift_right_logical3A_672, %shift_left3A_674 : vector<16x64xi32>
    %or3A_676 = arith.ori %shift_right_logical3A_659, %shift_left3A_675 : vector<16x64xi32>
    %bitcast_convert_type3A_677 = tpu.bitcast %or3A_676 : vector<16x64xi32> -> vector<16x64xi32>
    %swap3A_678 = arith.constant 240 : index
    %swap3A_679 = arith.constant 0 : index
    %swap3A_680 = vector.load %arg2[%swap3A_678, %swap3A_679] : memref<256x64xi32, #tpu.memory_space<vmem>>, vector<16x64xi32>
    tpu.vector_store %arg2[%swap3A_678, %swap3A_679], %bitcast_convert_type3A_677 {strides = array<i32>} : memref<256x64xi32, #tpu.memory_space<vmem>>, vector<16x64xi32>,
    return
  }
}

</mosaic_0001>

<sc_bundles>
// kernel: kernel.4.cloned.1.call-start
scs
__scs_entry_jumppad:
0x0: {  	(pc) =	sbr.rel $0x88, $3  }
0x1: {  	(tag) =	ssettag $0x0;
	lr =	simm.s32 $0x1  }
0x2: {  	[smem:$0x3F9E] =	sst lr;
	_ =	strace $0xD0000000  }
0x3: {  	_ = 	snop  }
0x4: {  	_ = 	snop  }
0x5: {  	_ = 	snop  }
0x6: {  	_ = 	snop  }
0x7: {  	_ = 	snop  }
__scs_overlays_trampoline_lowered:
0x8: {  	[smem:$0x3FAD] =	sst s0  }
0x9: {  	[smem:$0x3FAE] =	sst s1  }
0xa: {  	[smem:$0x3FAF] =	sst s2  }
0xb: {  	[smem:$0x3FB0] =	sst s3  }
0xc: {  	[smem:$0x3FB1] =	sst s4  }
0xd: {  	[smem:$0x3FB2] =	sst s5  }
0xe: {  	[smem:$0x3FB3] =	sst s6  }
0xf: {  	[smem:$0x3FB4] =	sst s7  }
0x10: {  	[smem:$0x3FB5] =	sst s8  }
0x11: {  	[smem:$0x3FB6] =	sst s9;
	s0 =	simm.s32 @!p0 $0x0  }
0x12: {  	s1 =	sld [smem:$0x3F9C];
	s0 =	simm.s32 @p0 $0x1  }
0x13: {  	[smem:$0x3FB7] =	sst s0;
	s0 =	simm.s32 @!p1 $0x0  }
0x14: {  	s2 =	sld [smem:$0x3F9B];
	s0 =	simm.s32 @p1 $0x1  }
0x15: {  	[smem:$0x3FB8] =	sst s0;
	s0 =	simm.s32 @!p2 $0x0  }
0x16: {  	s3 =	sld [smem:$0x3FDB];
	s0 =	simm.s32 @p2 $0x1  }
0x17: {  	s4 =	simm.s32 $0x1BF5;
	[smem:$0x3FBA] =	sst s0  }
0x18: {  	s0 =	sld [smem:$0x3F9D];
	_ =	swait.ge [sflag:s4], $0x0  }
0x19: {  	s7 =	sld [smem:$0x3F9E]  }
0x1a: {  	s8 =	sadd.s32 $0xFFFFE003, lr  }
0x1b: {  	s9 =	sadd.s32 $0xFFFFFEF7, lr;
	s5 =	simm.s32 $0xFFFFFFFF;
	p2 =	slt.u32 s8, $0xFFFFF086  }
0x1c: {  	p1 =	slt.u32 s9, $0xF7A;
	s5 =	simm.s32 @!p2 $0x0  }
0x1d: {  	s5 =	simm.s32 @p1 $0x1;
	p0 =	seq.s32 s7, s2  }
0x1e: {  	s7 =	smul.u32 @!p0 $0xF7A, s2;
	p2 =	seq.s32 @!p0 s5, $0x0  }
0x1f: {  	s9 =	smul.u32 $0xF7A, s1;
	s8 =	simm.s32 @!p0 $0x1BF5;
	p2 =	por !p2, p0  }
0x20: {  	[sflag:s8] =	ssyncset.s32 @!p0 $0xFFFFF086;
	s6 =	sadd.s32 @!p0 s3, s7;
	s7 =	simm.s32 @!p0 $0x108  }
0x21: {  	s3 =	sadd.s32 s3, s9;
	s6 =	sadd.s32 @!p0 $0x88, s6;
	s7 =	simm.s32 @p2 $0x1082  }
0x22: {  	[simem:s7], [sflag:s8] =	dma.local @!p0 [hbm:s6], $0xF7A  }
0x23: {  	s9 =	sor.u32 $0xD0000000, s2;
	s6 =	simm.s32 $0x108;
	_ =	swait.ge @!p0 [sflag:s8], $0x0  }
0x24: {  	s3 =	sadd.s32 $0x88, s3;
	s6 =	simm.s32 @!p1 $0x1082;
	[sflag:s4] =	ssyncset.s32 $0xFFFFF086  }
0x25: {  	[simem:s6], [sflag:s4] =	dma.local [hbm:s3], $0xF7A  }
0x26: {  	[smem:$0x3F9E] =	sst s1;
	(tag) =	ssettag s2;
	_ =	strace s9  }
0x27: {  	s1 =	sld [smem:$0x3FAE]  }
0x28: {  	s2 =	sld [smem:$0x3FAF]  }
0x29: {  	s4 =	sld [smem:$0x3FB1]  }
0x2a: {  	p0 =	seq.s32 s5, $0x0;
	s5 =	sld [smem:$0x3FB2]  }
0x2b: {  	s6 =	sld [smem:$0x3FB3]  }
0x2c: {  	s7 =	sld [smem:$0x3FB4]  }
0x2d: {  	s3 =	simm.s32 $0x108;
	s8 =	sld [smem:$0x3FB5]  }
0x2e: {  	s3 =	simm.s32 @!p0 $0x1082;
	s9 =	sld [smem:$0x3FB6]  }
0x2f: {  	lr =	sadd.s32 s0, s3;
	s0 =	sld [smem:$0x3FAD]  }
0x30: {  	s3 =	sld [smem:$0x3FB0]  }
0x31: {  	[smem:$0x3FB9] =	sst s10  }
0x32: {  	s10 =	sld [smem:$0x3FB7];
	_ =	sdelay $0x3  }
0x33: {  	p0 =	seq.s32 s10, $0x1;
	s10 =	sld [smem:$0x3FB9];
	_ =	sdelay $0x3  }
0x34: {  	[smem:$0x3FB9] =	sst s10  }
0x35: {  	s10 =	sld [smem:$0x3FB8];
	_ =	sdelay $0x3  }
0x36: {  	p1 =	seq.s32 s10, $0x1;
	s10 =	sld [smem:$0x3FB9];
	_ =	sdelay $0x3  }
0x37: {  	[smem:$0x3FB9] =	sst s10  }
0x38: {  	s10 =	sld [smem:$0x3FBA]  }
0x39: {  	_ = 	snop;
	(pc) =	sbr.ind lr, $3  }
0x3a: {  	_ = 	snop  }
0x3b: {  	_ = 	snop  }
0x3c: {  	p2 =	seq.s32 s10, $0x1;
	s10 =	sld [smem:$0x3FB9]  }
0x3d: {  	_ =	shalt  }
0x3e: {  	_ =	shalt  }
0x3f: {  	_ =	shalt  }
0x40: {  	_ =	shalt  }
0x41: {  	_ =	shalt  }
0x42: {  	_ =	shalt  }
0x43: {  	_ =	shalt  }
0x44: {  	_ =	shalt  }
0x45: {  	_ =	shalt  }
0x46: {  	_ =	shalt  }
0x47: {  	_ =	shalt  }
0x48: {  	_ =	shalt  }
0x49: {  	_ =	shalt  }
0x4a: {  	_ =	shalt  }
0x4b: {  	_ =	shalt  }
0x4c: {  	_ =	shalt  }
0x4d: {  	_ =	shalt  }
0x4e: {  	_ =	shalt  }
0x4f: {  	_ =	shalt  }
0x50: {  	_ =	shalt  }
0x51: {  	_ =	shalt  }
0x52: {  	_ =	shalt  }
0x53: {  	_ =	shalt  }
0x54: {  	_ =	shalt  }
0x55: {  	_ =	shalt  }
0x56: {  	_ =	shalt  }
0x57: {  	_ =	shalt  }
0x58: {  	_ =	shalt  }
0x59: {  	_ =	shalt  }
0x5a: {  	_ =	shalt  }
0x5b: {  	_ =	shalt  }
0x5c: {  	_ =	shalt  }
0x5d: {  	_ =	shalt  }
0x5e: {  	_ =	shalt  }
0x5f: {  	_ =	shalt  }
0x60: {  	_ =	shalt  }
0x61: {  	_ =	shalt  }
0x62: {  	_ =	shalt  }
0x63: {  	_ =	shalt  }
0x64: {  	_ =	shalt  }
0x65: {  	_ =	shalt  }
0x66: {  	_ =	shalt  }
0x67: {  	_ =	shalt  }
0x68: {  	_ =	shalt  }
0x69: {  	_ =	shalt  }
0x6a: {  	_ =	shalt  }
0x6b: {  	_ =	shalt  }
0x6c: {  	_ =	shalt  }
0x6d: {  	_ =	shalt  }
0x6e: {  	_ =	shalt  }
0x6f: {  	_ =	shalt  }
0x70: {  	_ =	shalt  }
0x71: {  	_ =	shalt  }
0x72: {  	_ =	shalt  }
0x73: {  	_ =	shalt  }
0x74: {  	_ =	shalt  }
0x75: {  	_ =	shalt  }
0x76: {  	_ =	shalt  }
0x77: {  	_ =	shalt  }
0x78: {  	_ =	shalt  }
0x79: {  	_ =	shalt  }
0x7a: {  	_ =	shalt  }
0x7b: {  	_ =	shalt  }
0x7c: {  	_ =	shalt  }
0x7d: {  	_ =	shalt  }
0x7e: {  	_ =	shalt  }
0x7f: {  	_ =	shalt  }
0x80: {  	_ =	shalt  }
0x81: {  	_ =	shalt  }
0x82: {  	_ =	shalt  }
0x83: {  	_ =	shalt  }
0x84: {  	_ =	shalt  }
0x85: {  	_ =	shalt  }
0x86: {  	_ =	shalt  }
0x87: {  	_ =	shalt  }
.Lfunc_end0:
.L_simem_size_0:
called_computation_lowered:
.L_overlay_start_0:
0x88: {  	s2 =	sld [smem:$0x3FD9]  }
0x89: {  	s3 =	sld [smem:$0x3FFE];
	_ =	sdelay $0x1  }
0x8a: {  	s1 =	srdreg.scid  }
0x8b: {  	s0 =	sand.u32 $0x1, s1  }
0x8c: {  	s17 =	sshll.u32 s0, $0xA;
	s2 =	sadd.s32 s3, s2  }
0x8d: {  	s2 =	sadd.s32 s2, s17  }
0x8e: {  	[smem:$0x3FC5] =	sst s2  }
0x8f: {  	_ = 	snop  }
0x90: {  	s2 =	sld [smem:$0x3FD0];
	(tm) =	ssettm $0x1  }
0x91: {  	s18 =	sld [smem:$0x3FFB];
	_ =	sdelay $0x3  }
0x92: {  	_ =	strace s18  }
0x93: {  	s3 =	sld [smem:$0x3FFC];
	_ =	sdelay $0x3  }
0x94: {  	_ =	strace s3  }
0x95: {  	s3 =	sld [smem:$0x3FFD];
	_ =	sdelay $0x3  }
0x96: {  	_ =	strace s3  }
0x97: {  	_ =	strace $0x8FFFFFFF  }
0x98: {  	s19 =	sld [smem:$0x3FDB];
	_ =	sdelay $0x1  }
0x99: {  	s4 =	simm.s32 $_scs_section_size  }
0x9a: {  	s5 =	simm.s32 $_size__tile_overlayer_lowered;
	s6 =	simm.s32 $_tile_overlayer_lowered  }
0x9b: {  	s22 =	simm.s32 $0x1BFF;
	s21 =	sshll.u32 s6, $0x1;
	s3 =	sadd.s32 s4, s19  }
0x9c: {  	s7 =	simm.s32 $0x0;
	s20 =	sshll.u32 s5, $0x1;
	s5 =	sadd.s32 s21, s3  }
0x9d: {  	[timem:s7], [sflag:s22] =	dma.local [hbm:s5], s20  }
0x9e: {  	_ =	swait.ge [sflag:s22], s20  }
0x9f: {  	s4 =	ssub.s32 $0x0, s20;
	[sflag:s22] =	ssyncset.done $0x0  }
0xa0: {  	[sflag:s22] =	ssyncadd.s32 s4;
	_ =	sdelay $0x1  }
0xa1: {  	s23 =	simm.s32 $0x1B8B  }
0xa2: {  	_ =	swait.ge [sflag:s23], $0x1  }
0xa3: {  	[sflag:s23] =	ssyncset.done $0x0  }
0xa4: {  	s25 =	simm.s32 $0x1B8E;
	s24 =	sld [smem:$0x3FFE];
	[sflag:s23] =	ssyncadd.s32 $0xFFFFFFFF  }
0xa5: {  	s26 =	simm.s32 $execute0_lowered;
	[smem:$0x3FD2] =	sst s25  }
0xa6: {  	s5 =	sshll.u32 s26, $0x1;
	_ =	strace $0x80000046;
	[dreg:$0x1] =	wrdreg $0xFFFFFFFF  }
0xa7: {  	s28 =	simm.s32 $_size_execute0_lowered;
	s3 =	sadd.s32 s3, s5;
	[dreg:$0x0] =	wrdreg $0x0  }
0xa8: {  	s5 =	sshll.u32 s28, $0x1;
	[dreg:$0x2] =	wrdreg s3  }
0xa9: {  	[dreg:$0x3] =	wrdreg s5  }
0xaa: {  	[dreg:$0x4] =	wrdreg $0xC0  }
0xab: {  	_ =	task [dreg:s7], $0x5FFFF  }
0xac: {  	[dreg:$0x1] =	wrdreg $0xFFFFFFFF  }
0xad: {  	[dreg:$0x0] =	wrdreg $0x60  }
0xae: {  	[dreg:$0x2] =	wrdreg s24  }
0xaf: {  	[dreg:$0x3] =	wrdreg s2  }
0xb0: {  	[dreg:$0x4] =	wrdreg $0x9  }
0xb1: {  	_ =	task.clear_ibuf [dreg:s7], $0x5FFFF;
	_ =	strace $0x90000046  }
0xb2: {  	s29 =	simm.s32 $0x9;
	_ =	strace $0x80000048  }
0xb3: {  	_ =	swait.ge [sflag:s29], $0x1  }
0xb4: {  	[sflag:s29] =	ssyncadd.s32 $0xFFFFFFFF  }
0xb5: {  	_ =	strace $0x90000048  }
0xb6: {  	_ =	sfence  }
0xb7: {  	s30 =	sld [smem:$0x0];
	_ =	sdelay $0x2  }
0xb8: {  	s31 =	sshll.u32 s1, $0xD;
	s1 =	sshrl.u32 s1, $0x2  }
0xb9: {  	s3 =	sand.u32 $0x4000, s31;
	s1 =	sadd.s32 s1, s30  }
0xba: {  	s0 =	sor.u32 s3, s0;
	s1 =	sshll.u32 s1, $0x11  }
0xbb: {  	s0 =	sor.u32 s1, s0  }
0xbc: {  	s0 =	sadd.s32 $0x8F2B, s0  }
0xbd: {  	[sflag:s0] =	ssyncadd.remote.s32 $0x1  }
0xbe: {  	_ =	sfence.sel $0xFFFF  }
0xbf: {  	[dreg:$0x0] =	wrdreg $0xFFFFFFFF;
	(pc) =	sbr.abs _section_cstart, $3  }
0xc0: {  	[dreg:$0x1] =	wrdreg $0xFFFFFFFF  }
0xc1: {  	_ =	task.clear_ibuf [dreg:s7], $0x2FFFF;
	_ =	strace $0x9FFFFFFF  }
0xc2: {  	(tm) =	ssettm $0x7FFFFFFF  }
0xc3: {  	_ =	shalt  }
tec
execute0_lowered:
.L_overlay_start_1:
0x0: {  	(tag) =	ssettag $0x1  }
0x1: {  	v0 =	vimm.s32 $0x3210  }
0x2: {  	v0 =	vunpack.c.l.s4.s8 v0  }
0x3: {  	v1 =	vimm.s32 $0xE3E2E1E0  }
0x4: {  	vm0 =	vcmask $0xF00;
	v1 =	vunpack.c.0.s8.s32 v1;
	v0 =	vunpack.c.0.s8.s32 v0  }
0x5: {  	vm8 =	vcmask $0x1F10;
	vm9 =	vcmask $0x2320;
	vm10 =	vcmask $0x2724  }
0x6: {  	vm11 =	vcmask $0x2B28;
	v1 =	vand.u32 $0xFF, v1;
	v0 =	vnsel vm0, $0x2A3, v0  }
0x7: {  	s1 =	srdreg.scid;
	vm12 =	vcmask $0x2F2C;
	vm13 =	vcmask $0x3330;
	v0 =	vsel vm8, v1, v0  }
0x8: {  	s0 =	stileid.u32;
	s4 =	rddreg [dreg:$0x0];
	vm14 =	vcmask $0x3734;
	vm15 =	vcmask $0x3B38;
	v0 =	vsel vm9, $0x1C0, v0  }
0x9: {  	s2 =	rddreg [dreg:$0x1];
	s3 =	simm.s32 $0x0;
	v2 =	vimm.s32 $0x6;
	v4 =	vimm.s32 $0x0;
	s9 =	simm.s32 $0x4000;
	v0 =	vsel vm10, $0x1C1, v0  }
0xa: {  	v5 =	vimm.s32 $0x1;
	v6 =	vimm.s32 $0x2;
	s10 =	simm.s32 $0x10;
	s11 =	simm.s32 $0x20;
	s12 =	simm.s32 $0x30;
	v0 =	vsel vm11, $0x1C2, v0  }
0xb: {  	v7 =	vimm.s32 $0x3;
	v8 =	vimm.s32 $0x4;
	s13 =	simm.s32 $0x1;
	s5 =	sand.u32 $0x1, s1;
	s31 =	sshll.u32 s0, $0x1;
	v0 =	vsel vm12, $0x1C3, v0  }
0xc: {  	v9 =	vimm.s32 $0x5;
	v10 =	vimm.s32 $0x7;
	s14 =	simm.s32 $0x0;
	s1 =	rddreg [dreg:$0x2];
	s6 =	sor.u32 s5, s31;
	v0 =	vsel vm13, $0x2A0, v0  }
0xd: {  	v11 =	vimm.s32 $0x8;
	[smem:$0x7FF] =	sst s3;
	s5 =	ssub.s32 $0x2, s5;
	s7 =	smul.u32 $0x620, s6;
	v1 =	vsel vm14, $0x2A1, v0;
	v0 =	vlaneseq.u32  }
0xe: {  	v12 =	vimm.s32 $0x9;
	_ =	strace $0x80000047;
	s8 =	sshrl.u32 s5, $0x1;
	s6 =	smul.u32 $0xE, s6;
	v1 =	vsel vm15, $0x2A2, v1;
	v27 =	vmul.u32 $0x400, v0  }
0xf: {  	v13 =	vimm.s32 $0xA;
	v14 =	vimm.s32 $0xB;
	v15 =	vimm.s32 $0xC;
	s8 =	ssub.s32 s5, s8;
	s7 =	sadd.s32 s7, s4;
	s4 =	sadd.s32 $0x800, s4;
	[tilespmem:$0x1FFE0] =	vst v1  }
0x10: {  	v16 =	vimm.s32 $0xD;
	v17 =	vimm.s32 $0xE;
	v18 =	vimm.s32 $0xF;
	s5 =	sadd.s32 $0x1000, s7;
	s7 =	smax.u32 s8, $0x1;
	s8 =	simm.s32 $0x2;
	[tilespmem:$0x1FFF0] =	vst v27  }
.LBB2_1:
0x11: {  	[tilespmem:s3], [sflag:$0x2] =	stream.linear.gather [hbm4b:s4+s3], $0x4000, $0x38;
	[tilespmem:$0xE100] =	vst v63  }
0x12: {  	_ =	swait.ge [sflag:s8], $0x4000  }
0x13: {  	[sflag:s8] =	ssyncset.done $0x0  }
0x14: {  	[sflag:s8] =	ssyncadd.s32 $0xFFFFC000  }
0x15: {  	[tilespmem:s9], [sflag:$0x2] =	stream.linear.gather [hbm4b:s5+s3], $0x3100, $0x38;
	[tilespmem:$0xE100] =	vst v63  }
0x16: {  	_ =	swait.ge [sflag:s8], $0x3100  }
0x17: {  	s15 =	simm.s32 $0x0;
	[sflag:s8] =	ssyncset.done $0x0  }
0x18: {  	s16 =	simm.s32 $0x0;
	s17 =	simm.s32 $0x0;
	[sflag:s8] =	ssyncadd.s32 $0xFFFFCF00  }
.LBB2_2:
0x19: {  	s18 =	sadd.s32 $0x4, s16  }
0x1a: {  	p0 =	slt.u32 s17, $0x4;
	v19 =	vadd.s32 s18, v1  }
0x1b: {  	s18 =	simm.s32 @!p0 $0x1  }
0x1c: {  	_ =	swait.ge @!p0 [sflag:s18], $0x1C00  }
0x1d: {  	[sflag:s18] =	ssyncset.done @!p0 $0x0  }
0x1e: {  	[sflag:s18] =	ssyncadd.s32 @!p0 $0xFFFFE400  }
0x1f: {  	v19 =	vld.idx.msk [tilespmem:v19+s9+$0x0], $0xffff  }
0x20: {  	v21 =	vadd.s32 s16, v1;
	_ =	sdelay $0x3  }
0x21: {  	v19 =	vshll.u32 v19, $0x6  }
0x22: {  	v21 =	vld.idx.msk [tilespmem:v21+s9+$0x0], $0xffff;
	v19 =	vadd.s32 v27, v19  }
0x23: {  	v20 =	vperm.xlane v19, v4  }
0x24: {  	v22 =	vperm.xlane v19, v5  }
0x25: {  	v43 =	vadd.s32 v0, v20;
	v20 =	vperm.xlane v19, v6  }
0x26: {  	v47 =	vadd.s32 v0, v22;
	v22 =	vperm.xlane v19, v7  }
0x27: {  	v21 =	vshll.u32 v21, $0x6;
	v44 =	vadd.s32 v0, v20  }
0x28: {  	v20 =	vperm.xlane v19, v8;
	v3 =	vadd.s32 v0, v22;
	v22 =	vperm.xlane v19, v9  }
0x29: {  	v21 =	vadd.s32 v27, v21  }
0x2a: {  	v24 =	vadd.s32 v0, v20;
	v1 =	vadd.s32 v0, v22;
	v22 =	vperm.xlane v19, v10  }
0x2b: {  	v23 =	vperm.xlane v21, v4;
	[tilespmem:$0x1FFC0] =	vst v24  }
0x2c: {  	v20 =	vperm.xlane v19, v2;
	v42 =	vld.idx.msk [tilespmem:v43+s3+$0x0], $0xffff;
	v36 =	vadd.s32 v0, v22;
	v22 =	vperm.xlane v19, v12  }
0x2d: {  	v4 =	vadd.s32 v0, v23;
	v41 =	vld.idx.msk [tilespmem:v47+s3+$0x0], $0xffff  }
0x2e: {  	v31 =	vadd.s32 v0, v20;
	v20 =	vperm.xlane v19, v11;
	v35 =	vld.idx.msk [tilespmem:v44+s3+$0x0], $0xffff;
	v25 =	vadd.s32 v0, v22  }
0x2f: {  	v30 =	vld.idx.msk [tilespmem:v3+s3+$0x0], $0xffff;
	[tilespmem:$0x1FFD0] =	vst v25  }
0x30: {  	v45 =	vadd.s32 v0, v20;
	v20 =	vperm.xlane v19, v13;
	v51 =	vld.idx.msk [tilespmem:v24+s3+$0x0], $0xffff  }
0x31: {  	v22 =	vperm.xlane v19, v14;
	v52 =	vld.idx.msk [tilespmem:v1+s3+$0x0], $0xffff  }
0x32: {  	v46 =	vadd.s32 v0, v20;
	v20 =	vperm.xlane v19, v15;
	v40 =	vld.idx.msk [tilespmem:v4+s3+$0x0], $0xffff  }
0x33: {  	v26 =	vperm.xlane v21, v5;
	v48 =	vadd.s32 v0, v22;
	v22 =	vperm.xlane v19, v16;
	v53 =	vld.idx.msk [tilespmem:v31+s3+$0x0], $0xffff  }
0x34: {  	v32 =	vperm.xlane v21, v8;
	v54 =	vld.idx.msk [tilespmem:v36+s3+$0x0], $0xffff;
	v50 =	vadd.s32 v0, v20;
	v20 =	vperm.xlane v19, v17  }
0x35: {  	v5 =	vperm.xlane v21, v7;
	v49 =	vadd.s32 v0, v22;
	v19 =	vperm.xlane v19, v18;
	v39 =	vld.idx.msk [tilespmem:v45+s3+$0x0], $0xffff  }
0x36: {  	v27 =	vperm.xlane v21, v6;
	v33 =	vperm.xlane v21, v9;
	v25 =	vld.idx.msk [tilespmem:v25+s3+$0x0], $0xffff;
	v28 =	vadd.s32 v0, v20  }
0x37: {  	v57 =	vperm.xlane v21, v2;
	v2 =	vadd.s32 v0, v5;
	v29 =	vadd.s32 v0, v19;
	v24 =	vld.idx.msk [tilespmem:v46+s3+$0x0], $0xffff  }
0x38: {  	v59 =	vperm.xlane v21, v10;
	v6 =	vadd.s32 v0, v32;
	v32 =	vmov v2;
	v55 =	vld.idx.msk [tilespmem:v48+s3+$0x0], $0xffff  }
0x39: {  	v60 =	vperm.xlane v21, v11;
	v62 =	vperm.xlane v21, v12;
	v34 =	vadd.s32 v0, v27;
	v56 =	vld.idx.msk [tilespmem:v50+s3+$0x0], $0xffff  }
0x3a: {  	v63 =	vperm.xlane v21, v13;
	v37 =	vperm.xlane v21, v16;
	v23 =	vadd.s32 v0, v26;
	v58 =	vld.idx.msk [tilespmem:v49+s3+$0x0], $0xffff  }
0x3b: {  	v7 =	vadd.s32 v0, v33;
	v33 =	vmovc v6;
	v5 =	vperm.xlane v21, v15;
	v2 =	vimm.s32 $0xE;
	v61 =	vld.idx.msk [tilespmem:v28+s3+$0x0], $0xffff  }
0x3c: {  	v38 =	vperm.xlane v21, v2;
	v2 =	vadd.s32 v0, v60;
	v41 =	vadd.bf16 v41, v42;
	v19 =	vld.idx.msk [tilespmem:v29+s3+$0x0], $0xffff  }
0x3d: {  	v60 =	vld.idx.msk [tilespmem:v32+s3+$0x0], $0xffff;
	v22 =	vadd.s32 v0, v57;
	v17 =	vadd.s32 v0, v59;
	v35 =	vadd.bf16 v30, v35  }
0x3e: {  	v42 =	vld.idx.msk [tilespmem:v34+s3+$0x0], $0xffff;
	v30 =	vadd.s32 v0, v62;
	v20 =	vperm.xlane v21, v14;
	v14 =	vperm.xlane v21, v18  }
0x3f: {  	v57 =	vld.idx.msk [tilespmem:v23+s3+$0x0], $0xffff;
	v21 =	vadd.s32 v0, v37;
	v51 =	vadd.bf16 v52, v51;
	v12 =	vadd.bf16 v54, v53  }
0x40: {  	v53 =	vld.idx.msk [tilespmem:v6+s3+$0x0], $0xffff;
	v6 =	vadd.s32 v0, v20;
	v39 =	vadd.bf16 v25, v39;
	v13 =	vadd.bf16 v55, v24  }
0x41: {  	v37 =	vld.idx.msk [tilespmem:v2+s3+$0x0], $0xffff;
	v16 =	vadd.s32 v0, v14;
	v56 =	vadd.bf16 v58, v56;
	v19 =	vadd.bf16 v19, v61  }
0x42: {  	v41 =	vadd.bf16 v35, v41;
	v52 =	vld.idx.msk [tilespmem:v17+s3+$0x0], $0xffff;
	v51 =	vadd.bf16 v12, v51  }
0x43: {  	v8 =	vadd.s32 v0, v38;
	v38 =	vld.idx.msk [tilespmem:v30+s3+$0x0], $0xffff;
	v39 =	vadd.bf16 v13, v39;
	v19 =	vadd.bf16 v19, v56  }
0x44: {  	v25 =	vadd.s32 v0, v63;
	v55 =	vld.idx.msk [tilespmem:v7+s3+$0x0], $0xffff  }
0x45: {  	s31 =	sand.u32 $0x3, s15;
	v41 =	vadd.bf16 v51, v41;
	v35 =	vld.idx.msk [tilespmem:v6+s3+$0x0], $0xffff;
	v39 =	vadd.bf16 v19, v39  }
0x46: {  	s18 =	smul.u32 $0x7000, s31;
	v10 =	vadd.s32 v0, v5;
	v14 =	vld.idx.msk [tilespmem:v16+s3+$0x0], $0xffff  }
0x47: {  	v58 =	vld.idx.msk [tilespmem:v22+s3+$0x0], $0xffff;
	v39 =	vadd.bf16 v39, v41  }
0x48: {  	s18 =	sshrl.u32 s18, $0x2;
	v13 =	vld.idx.msk [tilespmem:v8+s3+$0x0], $0xffff  }
0x49: {  	s18 =	sadd.s32 $0x7180, s18;
	v51 =	vld.idx.msk [tilespmem:v25+s3+$0x0], $0xffff;
	v12 =	vunpack.i.l.bf16.f32 v39  }
0x4a: {  	v56 =	vld.idx.msk [tilespmem:v21+s3+$0x0], $0xffff;
	v39 =	vunpack.i.u.bf16.f32 v39;
	[tilespmem:s18+$0x0] =	vst v12  }
0x4b: {  	v41 =	vld.idx.msk [tilespmem:v10+s3+$0x0], $0xffff;
	[tilespmem:s18+$0x40] =	vst v39  }
0x4c: {  	v39 =	vld.idx.msk [tilespmem:v43+s10+$0x0], $0xffff  }
0x4d: {  	v62 =	vld.idx.msk [tilespmem:v47+s10+$0x0], $0xffff  }
0x4e: {  	v40 =	vadd.bf16 v57, v40;
	v57 =	vld.idx.msk [tilespmem:v44+s10+$0x0], $0xffff  }
0x4f: {  	v53 =	vadd.bf16 v55, v53;
	v52 =	vadd.bf16 v52, v58;
	v55 =	vld.idx.msk [tilespmem:v3+s10+$0x0], $0xffff  }
0x50: {  	v5 =	vld [tilespmem:$0x1FFC0]  }
0x51: {  	v42 =	vadd.bf16 v60, v42;
	v61 =	vadd.bf16 v52, v53;
	v52 =	vld.idx.msk [tilespmem:v31+s10+$0x0], $0xffff  }
0x52: {  	v37 =	vadd.bf16 v38, v37;
	v60 =	vadd.bf16 v14, v13;
	v53 =	vld.idx.msk [tilespmem:v45+s10+$0x0], $0xffff  }
0x53: {  	v35 =	vadd.bf16 v35, v51;
	v9 =	vld [tilespmem:$0x1FFD0];
	v41 =	vadd.bf16 v56, v41  }
0x54: {  	v40 =	vadd.bf16 v42, v40;
	v42 =	vld.idx.msk [tilespmem:v46+s10+$0x0], $0xffff  }
0x55: {  	v37 =	vadd.bf16 v35, v37;
	v54 =	vld.idx.msk [tilespmem:v50+s10+$0x0], $0xffff;
	v63 =	vadd.bf16 v60, v41  }
0x56: {  	v13 =	vld.idx.msk [tilespmem:v49+s10+$0x0], $0xffff  }
0x57: {  	v40 =	vadd.bf16 v61, v40;
	v14 =	vld.idx.msk [tilespmem:v28+s10+$0x0], $0xffff;
	v37 =	vadd.bf16 v63, v37  }
0x58: {  	v35 =	vld.idx.msk [tilespmem:v29+s10+$0x0], $0xffff  }
0x59: {  	v56 =	vld.idx.msk [tilespmem:v1+s10+$0x0], $0xffff;
	v37 =	vadd.bf16 v37, v40  }
0x5a: {  	v41 =	vld.idx.msk [tilespmem:v36+s10+$0x0], $0xffff  }
0x5b: {  	v40 =	vld.idx.msk [tilespmem:v48+s10+$0x0], $0xffff;
	v12 =	vunpack.i.l.bf16.f32 v37  }
0x5c: {  	v51 =	vld.idx.msk [tilespmem:v5+s10+$0x0], $0xffff;
	v37 =	vunpack.i.u.bf16.f32 v37;
	[tilespmem:s18+$0xFFFFFF80] =	vst v12  }
0x5d: {  	v38 =	vld.idx.msk [tilespmem:v9+s10+$0x0], $0xffff;
	[tilespmem:s18+$0xFFFFFFC0] =	vst v37  }
0x5e: {  	v60 =	vld.idx.msk [tilespmem:v4+s10+$0x0], $0xffff  }
0x5f: {  	v61 =	vld.idx.msk [tilespmem:v23+s10+$0x0], $0xffff  }
0x60: {  	v39 =	vadd.bf16 v62, v39;
	v55 =	vadd.bf16 v55, v57;
	v62 =	vld.idx.msk [tilespmem:v34+s10+$0x0], $0xffff  }
0x61: {  	v63 =	vadd.bf16 v13, v54;
	v41 =	vadd.bf16 v41, v52;
	v57 =	vld.idx.msk [tilespmem:v32+s10+$0x0], $0xffff  }
0x62: {  	v37 =	vadd.bf16 v35, v14;
	v52 =	vld.idx.msk [tilespmem:v33+s10+$0x0], $0xffff;
	v40 =	vadd.bf16 v40, v42  }
0x63: {  	v54 =	vld.idx.msk [tilespmem:v22+s10+$0x0], $0xffff;
	v51 =	vadd.bf16 v56, v51;
	v38 =	vadd.bf16 v38, v53  }
0x64: {  	v39 =	vadd.bf16 v55, v39;
	v12 =	vld.idx.msk [tilespmem:v21+s10+$0x0], $0xffff;
	v37 =	vadd.bf16 v37, v63  }
0x65: {  	v14 =	vld.idx.msk [tilespmem:v8+s10+$0x0], $0xffff;
	v41 =	vadd.bf16 v41, v51;
	v38 =	vadd.bf16 v40, v38  }
0x66: {  	v35 =	vld.idx.msk [tilespmem:v16+s10+$0x0], $0xffff  }
0x67: {  	v42 =	vld.idx.msk [tilespmem:v7+s10+$0x0], $0xffff;
	v39 =	vadd.bf16 v41, v39;
	v37 =	vadd.bf16 v37, v38  }
0x68: {  	v53 =	vld.idx.msk [tilespmem:v30+s10+$0x0], $0xffff  }
0x69: {  	v51 =	vld.idx.msk [tilespmem:v17+s10+$0x0], $0xffff;
	v37 =	vadd.bf16 v37, v39  }
0x6a: {  	v40 =	vld.idx.msk [tilespmem:v2+s10+$0x0], $0xffff  }
0x6b: {  	v38 =	vld.idx.msk [tilespmem:v25+s10+$0x0], $0xffff;
	v13 =	vunpack.i.l.bf16.f32 v37  }
0x6c: {  	v41 =	vld.idx.msk [tilespmem:v6+s10+$0x0], $0xffff;
	v37 =	vunpack.i.u.bf16.f32 v37;
	[tilespmem:s18+$0x10] =	vst v13  }
0x6d: {  	v39 =	vld.idx.msk [tilespmem:v10+s10+$0x0], $0xffff;
	[tilespmem:s18+$0x50] =	vst v37  }
0x6e: {  	v37 =	vld.idx.msk [tilespmem:v43+s11+$0x0], $0xffff  }
0x6f: {  	v59 =	vld.idx.msk [tilespmem:v47+s11+$0x0], $0xffff  }
0x70: {  	v60 =	vadd.bf16 v61, v60;
	v57 =	vadd.bf16 v57, v62;
	v61 =	vld.idx.msk [tilespmem:v44+s11+$0x0], $0xffff  }
0x71: {  	v63 =	vadd.bf16 v35, v14;
	v42 =	vadd.bf16 v42, v52;
	v52 =	vld.idx.msk [tilespmem:v3+s11+$0x0], $0xffff  }
0x72: {  	v51 =	vadd.bf16 v51, v54;
	v38 =	vadd.bf16 v41, v38;
	v41 =	vld.idx.msk [tilespmem:v5+s11+$0x0], $0xffff  }
0x73: {  	v40 =	vadd.bf16 v53, v40;
	v54 =	vld.idx.msk [tilespmem:v1+s11+$0x0], $0xffff;
	v39 =	vadd.bf16 v12, v39  }
0x74: {  	v42 =	vadd.bf16 v51, v42;
	v51 =	vld.idx.msk [tilespmem:v31+s11+$0x0], $0xffff;
	v12 =	vadd.bf16 v57, v60  }
0x75: {  	v53 =	vld.idx.msk [tilespmem:v45+s11+$0x0], $0xffff;
	v38 =	vadd.bf16 v38, v40;
	v39 =	vadd.bf16 v63, v39  }
0x76: {  	v55 =	vld.idx.msk [tilespmem:v46+s11+$0x0], $0xffff  }
0x77: {  	v56 =	vld.idx.msk [tilespmem:v50+s11+$0x0], $0xffff;
	v42 =	vadd.bf16 v42, v12;
	v38 =	vadd.bf16 v39, v38  }
0x78: {  	v14 =	vld.idx.msk [tilespmem:v49+s11+$0x0], $0xffff  }
0x79: {  	v35 =	vld.idx.msk [tilespmem:v28+s11+$0x0], $0xffff;
	v38 =	vadd.bf16 v38, v42  }
0x7a: {  	v40 =	vld.idx.msk [tilespmem:v36+s11+$0x0], $0xffff  }
0x7b: {  	v12 =	vld.idx.msk [tilespmem:v29+s11+$0x0], $0xffff;
	v13 =	vunpack.i.l.bf16.f32 v38  }
0x7c: {  	v39 =	vld.idx.msk [tilespmem:v9+s11+$0x0], $0xffff;
	v38 =	vunpack.i.u.bf16.f32 v38;
	[tilespmem:s18+$0xFFFFFF90] =	vst v13  }
0x7d: {  	v42 =	vld.idx.msk [tilespmem:v48+s11+$0x0], $0xffff;
	[tilespmem:s18+$0xFFFFFFD0] =	vst v38  }
0x7e: {  	v60 =	vld.idx.msk [tilespmem:v4+s11+$0x0], $0xffff  }
0x7f: {  	v13 =	vld.idx.msk [tilespmem:v23+s11+$0x0], $0xffff  }
0x80: {  	v37 =	vadd.bf16 v59, v37;
	v52 =	vadd.bf16 v52, v61;
	v59 =	vld.idx.msk [tilespmem:v34+s11+$0x0], $0xffff  }
0x81: {  	v41 =	vadd.bf16 v54, v41;
	v14 =	vadd.bf16 v14, v56;
	v54 =	vld.idx.msk [tilespmem:v32+s11+$0x0], $0xffff  }
0x82: {  	v40 =	vadd.bf16 v40, v51;
	v39 =	vadd.bf16 v39, v53;
	v61 =	vld.idx.msk [tilespmem:v33+s11+$0x0], $0xffff  }
0x83: {  	v38 =	vadd.bf16 v12, v35;
	v56 =	vld.idx.msk [tilespmem:v22+s11+$0x0], $0xffff;
	v42 =	vadd.bf16 v42, v55  }
0x84: {  	v18 =	vmovc v2;
	v2 =	vmov v43;
	v37 =	vadd.bf16 v52, v37;
	v40 =	vadd.bf16 v40, v41;
	v43 =	vld.idx.msk [tilespmem:v17+s11+$0x0], $0xffff  }
0x85: {  	v57 =	vld.idx.msk [tilespmem:v30+s11+$0x0], $0xffff;
	v38 =	vadd.bf16 v38, v14;
	v39 =	vadd.bf16 v42, v39  }
0x86: {  	v41 =	vld.idx.msk [tilespmem:v25+s11+$0x0], $0xffff  }
0x87: {  	v37 =	vadd.bf16 v40, v37;
	v35 =	vld.idx.msk [tilespmem:v6+s11+$0x0], $0xffff;
	v38 =	vadd.bf16 v38, v39  }
0x88: {  	v63 =	vld.idx.msk [tilespmem:v21+s11+$0x0], $0xffff  }
0x89: {  	v12 =	vld.idx.msk [tilespmem:v16+s11+$0x0], $0xffff;
	v37 =	vadd.bf16 v38, v37  }
0x8a: {  	v55 =	vld.idx.msk [tilespmem:v7+s11+$0x0], $0xffff  }
0x8b: {  	v42 =	vld.idx.msk [tilespmem:v18+s11+$0x0], $0xffff;
	v53 =	vunpack.i.l.bf16.f32 v37  }
0x8c: {  	v39 =	vld.idx.msk [tilespmem:v10+s11+$0x0], $0xffff;
	v37 =	vunpack.i.u.bf16.f32 v37;
	[tilespmem:s18+$0x20] =	vst v53  }
0x8d: {  	v38 =	vld.idx.msk [tilespmem:v8+s11+$0x0], $0xffff;
	[tilespmem:s18+$0x60] =	vst v37  }
0x8e: {  	v51 =	vld.idx.msk [tilespmem:v2+s12+$0x0], $0xffff  }
0x8f: {  	v52 =	vld.idx.msk [tilespmem:v47+s12+$0x0], $0xffff  }
0x90: {  	v13 =	vadd.bf16 v13, v60;
	v54 =	vadd.bf16 v54, v59;
	v53 =	vld.idx.msk [tilespmem:v44+s12+$0x0], $0xffff  }
0x91: {  	v43 =	vadd.bf16 v43, v56;
	v35 =	vadd.bf16 v35, v41;
	v40 =	vld.idx.msk [tilespmem:v3+s12+$0x0], $0xffff  }
0x92: {  	v14 =	vadd.bf16 v55, v61;
	v42 =	vadd.bf16 v57, v42;
	v41 =	vld.idx.msk [tilespmem:v5+s12+$0x0], $0xffff  }
0x93: {  	v39 =	vadd.bf16 v63, v39;
	v37 =	vld.idx.msk [tilespmem:v1+s12+$0x0], $0xffff;
	v60 =	vadd.bf16 v12, v38  }
0x94: {  	v47 =	vadd.bf16 v54, v13;
	v44 =	vadd.bf16 v43, v14;
	v43 =	vld.idx.msk [tilespmem:v36+s12+$0x0], $0xffff  }
0x95: {  	v42 =	vadd.bf16 v35, v42;
	v38 =	vld.idx.msk [tilespmem:v31+s12+$0x0], $0xffff;
	v61 =	vadd.bf16 v60, v39  }
0x96: {  	v62 =	vadd.bf16 v44, v47;
	v44 =	vld.idx.msk [tilespmem:v46+s12+$0x0], $0xffff  }
0x97: {  	s19 =	sand.u32 $0x3, s17;
	v46 =	vld.idx.msk [tilespmem:v48+s12+$0x0], $0xffff;
	v63 =	vadd.bf16 v61, v42  }
0x98: {  	s19 =	smul.u32 $0x7000, s19;
	v39 =	vld.idx.msk [tilespmem:v45+s12+$0x0], $0xffff  }
0x99: {  	v45 =	vld.idx.msk [tilespmem:v50+s12+$0x0], $0xffff;
	v47 =	vadd.bf16 v63, v62  }
0x9a: {  	s21 =	simm.s32 $0x0;
	s19 =	sshrl.u32 s19, $0x2;
	v42 =	vld.idx.msk [tilespmem:v9+s12+$0x0], $0xffff  }
0x9b: {  	s22 =	sadd.s32 $0x8, s16;
	s19 =	sadd.s32 $0x7100, s19;
	s20 =	smov.u32 s18;
	v56 =	vmovc v7;
	v55 =	vmovc v4;
	v57 =	vmov v23;
	v48 =	vunpack.i.u.bf16.f32 v47;
	v54 =	vunpack.i.l.bf16.f32 v47;
	v47 =	vld.idx.msk [tilespmem:v49+s12+$0x0], $0xffff  }
.LBB2_3:
0x9c: {  	v1 =	vld [tilespmem:$0x1FFE0];
	_ =	sdelay $0x2  }
0x9d: {  	[tilespmem:s18+$0xFFFFFFA0] =	vst v54;
	v35 =	vld.idx.msk [tilespmem:v28+s12+$0x0], $0xffff  }
0x9e: {  	[tilespmem:s18+$0xFFFFFFE0] =	vst v48;
	v36 =	vld.idx.msk [tilespmem:v29+s12+$0x0], $0xffff  }
0x9f: {  	s23 =	sadd.s32 $0x4, s22;
	v23 =	vld.idx.msk [tilespmem:v55+s12+$0x0], $0xffff;
	v49 =	vadd.s32 s22, v1  }
0xa0: {  	v31 =	vld.idx.msk [tilespmem:v57+s12+$0x0], $0xffff;
	v50 =	vadd.s32 s23, v1  }
0xa1: {  	v34 =	vld.idx.msk [tilespmem:v34+s12+$0x0], $0xffff  }
0xa2: {  	v26 =	vld.idx.msk [tilespmem:v32+s12+$0x0], $0xffff;
	v12 =	vadd.bf16 v52, v51;
	v40 =	vadd.bf16 v40, v53  }
0xa3: {  	v37 =	vadd.bf16 v37, v41;
	v38 =	vadd.bf16 v43, v38;
	v1 =	vld [tilespmem:$0x1FFF0]  }
0xa4: {  	v39 =	vadd.bf16 v42, v39;
	v14 =	vadd.bf16 v46, v44;
	v49 =	vld.idx.msk [tilespmem:v49+s9+$0x0], $0xffff  }
0xa5: {  	v46 =	vadd.bf16 v47, v45;
	v35 =	vadd.bf16 v36, v35;
	v13 =	vld.idx.msk [tilespmem:v50+s9+$0x0], $0xffff  }
0xa6: {  	v27 =	vadd.bf16 v40, v12;
	v47 =	vadd.bf16 v38, v37  }
0xa7: {  	v2 =	vimm.s32 $0x0;
	v57 =	vadd.bf16 v14, v39;
	v35 =	vadd.bf16 v35, v46  }
0xa8: {  	v3 =	vimm.s32 $0x1;
	v55 =	vld.idx.msk [tilespmem:v17+s12+$0x0], $0xffff;
	v17 =	vimm.s32 $0xD;
	v51 =	vadd.bf16 v31, v23  }
0xa9: {  	v27 =	vadd.bf16 v47, v27;
	v28 =	vadd.bf16 v35, v57;
	v23 =	vshll.u32 v49, $0x6  }
0xaa: {  	v60 =	vadd.bf16 v26, v34;
	v31 =	vshll.u32 v13, $0x6;
	v23 =	vadd.s32 v1, v23  }
0xab: {  	v58 =	vadd.bf16 v28, v27;
	v31 =	vadd.s32 v1, v31;
	v29 =	vperm.xlane v23, v2  }
0xac: {  	v54 =	vld.idx.msk [tilespmem:v22+s12+$0x0], $0xffff;
	v1 =	vimm.s32 $0x2;
	v27 =	vperm.xlane v23, v3;
	v28 =	vperm.xlane v31, v2  }
0xad: {  	v59 =	vld.idx.msk [tilespmem:v25+s12+$0x0], $0xffff;
	v24 =	vunpack.i.u.bf16.f32 v58;
	v25 =	vperm.xlane v23, v1;
	v26 =	vperm.xlane v31, v3  }
0xae: {  	v63 =	vld.idx.msk [tilespmem:v21+s12+$0x0], $0xffff;
	v2 =	vimm.s32 $0x3;
	v3 =	vimm.s32 $0x6;
	v14 =	vperm.xlane v23, v17  }
0xaf: {  	v36 =	vld.idx.msk [tilespmem:v30+s12+$0x0], $0xffff;
	v30 =	vperm.xlane v23, v2;
	v21 =	vperm.xlane v23, v3;
	v5 =	vadd.s32 v0, v28  }
0xb0: {  	v61 =	vld.idx.msk [tilespmem:v6+s12+$0x0], $0xffff;
	v28 =	vperm.xlane v31, v1;
	v1 =	vimm.s32 $0x4;
	v38 =	vadd.s32 v0, v26  }
0xb1: {  	v62 =	vld.idx.msk [tilespmem:v10+s12+$0x0], $0xffff;
	v26 =	vperm.xlane v31, v2;
	v2 =	vimm.s32 $0x5;
	v35 =	vadd.s32 v0, v29  }
0xb2: {  	[tilespmem:s18+$0x70] =	vst v24;
	v34 =	vadd.s32 v0, v25;
	v24 =	vperm.xlane v23, v1;
	v22 =	vperm.xlane v23, v2  }
0xb3: {  	v4 =	vld.idx.msk [tilespmem:v16+s12+$0x0], $0xffff;
	v39 =	vadd.s32 v0, v28;
	v28 =	vperm.xlane v31, v1;
	v1 =	vimm.s32 $0x7  }
0xb4: {  	v52 =	vld.idx.msk [tilespmem:v33+s12+$0x0], $0xffff;
	v40 =	vadd.s32 v0, v26;
	v26 =	vperm.xlane v31, v2;
	v20 =	vperm.xlane v23, v1  }
0xb5: {  	v2 =	vld.idx.msk [tilespmem:v8+s12+$0x0], $0xffff;
	v41 =	vadd.s32 v0, v28;
	v28 =	vperm.xlane v31, v3;
	v3 =	vimm.s32 $0x8  }
0xb6: {  	v53 =	vld.idx.msk [tilespmem:v56+s12+$0x0], $0xffff;
	v42 =	vadd.s32 v0, v26;
	v26 =	vperm.xlane v31, v1;
	v1 =	vimm.s32 $0x9  }
0xb7: {  	v37 =	vld.idx.msk [tilespmem:v18+s12+$0x0], $0xffff;
	v19 =	vperm.xlane v23, v3;
	v6 =	vperm.xlane v23, v1;
	v43 =	vadd.s32 v0, v28  }
0xb8: {  	[tilespmem:$0x1FFB0] =	vst v5;
	v5 =	vld.idx.msk [tilespmem:v5+s3+$0x0], $0xffff;
	v28 =	vperm.xlane v31, v3;
	v3 =	vimm.s32 $0xA;
	v44 =	vadd.s32 v0, v26  }
0xb9: {  	v7 =	vld.idx.msk [tilespmem:v38+s3+$0x0], $0xffff;
	v26 =	vperm.xlane v31, v1;
	v1 =	vimm.s32 $0xB;
	v8 =	vperm.xlane v23, v3  }
0xba: {  	v9 =	vld.idx.msk [tilespmem:v39+s3+$0x0], $0xffff;
	v10 =	vperm.xlane v23, v1;
	v2 =	vadd.bf16 v4, v2;
	v4 =	vadd.bf16 v60, v51  }
0xbb: {  	v11 =	vld.idx.msk [tilespmem:v40+s3+$0x0], $0xffff;
	v45 =	vadd.s32 v0, v28;
	v28 =	vperm.xlane v31, v3;
	v3 =	vimm.s32 $0xC  }
0xbc: {  	v60 =	vld.idx.msk [tilespmem:v34+s3+$0x0], $0xffff;
	v46 =	vadd.s32 v0, v26;
	v26 =	vperm.xlane v31, v1;
	v1 =	vimm.s32 $0xE  }
0xbd: {  	v12 =	vperm.xlane v23, v3;
	v13 =	vld.idx.msk [tilespmem:v41+s3+$0x0], $0xffff;
	v16 =	vperm.xlane v23, v1  }
0xbe: {  	v15 =	vld.idx.msk [tilespmem:v42+s3+$0x0], $0xffff;
	v47 =	vadd.s32 v0, v28;
	v28 =	vperm.xlane v31, v3;
	v3 =	vimm.s32 $0xF  }
0xbf: {  	v48 =	vadd.s32 v0, v26;
	v26 =	vperm.xlane v31, v17;
	v17 =	vld.idx.msk [tilespmem:v43+s3+$0x0], $0xffff;
	v29 =	vperm.xlane v31, v3  }
0xc0: {  	v49 =	vadd.s32 v0, v28;
	v28 =	vperm.xlane v31, v1;
	v1 =	vld.idx.msk [tilespmem:v44+s3+$0x0], $0xffff;
	v31 =	vadd.s32 v0, v21  }
0xc1: {  	v21 =	vadd.s32 v0, v16;
	v16 =	vadd.bf16 v53, v52;
	v52 =	vadd.bf16 v55, v54;
	v55 =	vld.idx.msk [tilespmem:v35+s3+$0x0], $0xffff  }
0xc2: {  	v18 =	vperm.xlane v23, v3;
	v50 =	vadd.s32 v0, v26;
	v3 =	vld.idx.msk [tilespmem:v45+s3+$0x0], $0xffff  }
0xc3: {  	v23 =	vld.idx.msk [tilespmem:v46+s3+$0x0], $0xffff;
	v29 =	vadd.s32 v0, v29  }
0xc4: {  	v33 =	vadd.s32 v0, v24;
	v28 =	vadd.s32 v0, v28;
	v24 =	vld.idx.msk [tilespmem:v47+s3+$0x0], $0xffff  }
0xc5: {  	v57 =	vadd.s32 v0, v27;
	v27 =	vadd.s32 v0, v20;
	v20 =	vld.idx.msk [tilespmem:v48+s3+$0x0], $0xffff  }
0xc6: {  	v32 =	vadd.s32 v0, v30;
	v56 =	vadd.s32 v0, v22;
	v22 =	vadd.s32 v0, v19;
	v19 =	vld.idx.msk [tilespmem:v49+s3+$0x0], $0xffff  }
0xc7: {  	v30 =	vadd.s32 v0, v6;
	v6 =	vadd.s32 v0, v12;
	v12 =	vld.idx.msk [tilespmem:v50+s3+$0x0], $0xffff  }
0xc8: {  	v25 =	vadd.s32 v0, v10;
	v26 =	vadd.s32 v0, v8;
	v8 =	vadd.s32 v0, v18;
	v18 =	vld.idx.msk [tilespmem:v29+s3+$0x0], $0xffff  }
0xc9: {  	v10 =	vadd.s32 v0, v14;
	v5 =	vadd.bf16 v7, v5;
	v53 =	vadd.bf16 v36, v37;
	v14 =	vld.idx.msk [tilespmem:v28+s3+$0x0], $0xffff  }
0xca: {  	v36 =	vadd.bf16 v61, v59;
	v59 =	vld.idx.msk [tilespmem:v57+s3+$0x0], $0xffff;
	v7 =	vadd.bf16 v11, v9  }
0xcb: {  	v54 =	vunpack.i.l.bf16.f32 v58;
	v58 =	vadd.bf16 v63, v62;
	v9 =	vld.idx.msk [tilespmem:v32+s3+$0x0], $0xffff;
	v11 =	vadd.bf16 v15, v13  }
0xcc: {  	v61 =	vld.idx.msk [tilespmem:v33+s3+$0x0], $0xffff;
	v5 =	vadd.bf16 v7, v5;
	v1 =	vadd.bf16 v1, v17  }
0xcd: {  	v62 =	vld.idx.msk [tilespmem:v22+s3+$0x0], $0xffff;
	v3 =	vadd.bf16 v23, v3;
	v15 =	vadd.bf16 v20, v24  }
0xce: {  	v7 =	vld.idx.msk [tilespmem:v27+s3+$0x0], $0xffff;
	v12 =	vadd.bf16 v12, v19;
	v14 =	vadd.bf16 v18, v14  }
0xcf: {  	v17 =	vld.idx.msk [tilespmem:v56+s3+$0x0], $0xffff;
	v63 =	vadd.bf16 v59, v55;
	v1 =	vadd.bf16 v1, v11  }
0xd0: {  	v55 =	vmov v35;
	v35 =	vld [tilespmem:$0x1FFB0];
	v3 =	vadd.bf16 v15, v3;
	v11 =	vadd.bf16 v14, v12  }
0xd1: {  	v18 =	vld.idx.msk [tilespmem:v31+s3+$0x0], $0xffff  }
0xd2: {  	v1 =	vadd.bf16 v1, v5;
	v5 =	vld.idx.msk [tilespmem:v26+s3+$0x0], $0xffff;
	v3 =	vadd.bf16 v11, v3  }
0xd3: {  	v2 =	vadd.bf16 v2, v58;
	v15 =	vadd.bf16 v52, v16;
	v16 =	vld.idx.msk [tilespmem:v30+s3+$0x0], $0xffff  }
0xd4: {  	v9 =	vadd.bf16 v9, v60;
	v19 =	vld.idx.msk [tilespmem:v25+s3+$0x0], $0xffff;
	v1 =	vadd.bf16 v3, v1  }
0xd5: {  	v13 =	vadd.bf16 v17, v61;
	v52 =	vld.idx.msk [tilespmem:v10+s3+$0x0], $0xffff;
	v11 =	vadd.bf16 v36, v53  }
0xd6: {  	[tilespmem:s18+$0x30] =	vst v54;
	s18 =	sadd.s32 $0x100, s18;
	v4 =	vadd.bf16 v15, v4;
	v15 =	vld.idx.msk [tilespmem:v21+s3+$0x0], $0xffff;
	v7 =	vadd.bf16 v7, v18;
	v17 =	vunpack.i.l.bf16.f32 v1  }
0xd7: {  	v3 =	vld.idx.msk [tilespmem:v6+s3+$0x0], $0xffff;
	v2 =	vadd.bf16 v2, v11;
	v1 =	vunpack.i.u.bf16.f32 v1;
	[tilespmem:s18+$0x0] =	vst v17  }
0xd8: {  	v9 =	vadd.bf16 v9, v63;
	v11 =	vld.idx.msk [tilespmem:v8+s3+$0x0], $0xffff;
	v7 =	vadd.bf16 v7, v13;
	[tilespmem:s18+$0x40] =	vst v1  }
0xd9: {  	v2 =	vadd.bf16 v2, v4;
	v1 =	vld.idx.msk [tilespmem:v35+s10+$0x0], $0xffff  }
0xda: {  	v4 =	vadd.bf16 v19, v5;
	v5 =	vadd.bf16 v7, v9;
	v7 =	vld.idx.msk [tilespmem:v38+s10+$0x0], $0xffff  }
0xdb: {  	v9 =	vld.idx.msk [tilespmem:v39+s10+$0x0], $0xffff  }
0xdc: {  	v54 =	vld.idx.msk [tilespmem:v40+s10+$0x0], $0xffff  }
0xdd: {  	v12 =	vadd.bf16 v16, v62;
	v58 =	vld.idx.msk [tilespmem:v42+s10+$0x0], $0xffff  }
0xde: {  	v59 =	vld.idx.msk [tilespmem:v43+s10+$0x0], $0xffff;
	v3 =	vadd.bf16 v52, v3;
	v11 =	vadd.bf16 v11, v15  }
0xdf: {  	v16 =	vld.idx.msk [tilespmem:v47+s10+$0x0], $0xffff  }
0xe0: {  	v4 =	vadd.bf16 v4, v12;
	v17 =	vld.idx.msk [tilespmem:v49+s10+$0x0], $0xffff;
	v3 =	vadd.bf16 v11, v3  }
0xe1: {  	v53 =	vunpack.i.u.bf16.f32 v2;
	v2 =	vunpack.i.l.bf16.f32 v2;
	v19 =	vld.idx.msk [tilespmem:v50+s10+$0x0], $0xffff  }
0xe2: {  	[tilespmem:s20+$0xFFFFFFB0] =	vst v2;
	v2 =	vld.idx.msk [tilespmem:v41+s10+$0x0], $0xffff;
	v3 =	vadd.bf16 v3, v4  }
0xe3: {  	v15 =	vld.idx.msk [tilespmem:v45+s10+$0x0], $0xffff  }
0xe4: {  	v11 =	vld.idx.msk [tilespmem:v44+s10+$0x0], $0xffff;
	v3 =	vadd.bf16 v3, v5  }
0xe5: {  	v4 =	vld.idx.msk [tilespmem:v46+s10+$0x0], $0xffff  }
0xe6: {  	[tilespmem:s20+$0xFFFFFFF0] =	vst v53;
	v5 =	vld.idx.msk [tilespmem:v48+s10+$0x0], $0xffff;
	v18 =	vunpack.i.u.bf16.f32 v3;
	v3 =	vunpack.i.l.bf16.f32 v3  }
0xe7: {  	[tilespmem:s18+$0xFFFFFF80] =	vst v3;
	v3 =	vld.idx.msk [tilespmem:v28+s10+$0x0], $0xffff  }
0xe8: {  	[tilespmem:s18+$0xFFFFFFC0] =	vst v18;
	v18 =	vld.idx.msk [tilespmem:v29+s10+$0x0], $0xffff  }
0xe9: {  	v20 =	vld.idx.msk [tilespmem:v55+s10+$0x0], $0xffff  }
0xea: {  	v23 =	vld.idx.msk [tilespmem:v57+s10+$0x0], $0xffff  }
0xeb: {  	v1 =	vadd.bf16 v7, v1;
	v7 =	vadd.bf16 v54, v9;
	v24 =	vld.idx.msk [tilespmem:v34+s10+$0x0], $0xffff  }
0xec: {  	v62 =	vadd.bf16 v19, v17;
	v2 =	vadd.bf16 v58, v2;
	v9 =	vld.idx.msk [tilespmem:v32+s10+$0x0], $0xffff  }
0xed: {  	v11 =	vadd.bf16 v11, v59;
	v4 =	vadd.bf16 v4, v15;
	v60 =	vld.idx.msk [tilespmem:v33+s10+$0x0], $0xffff  }
0xee: {  	v15 =	vld.idx.msk [tilespmem:v31+s10+$0x0], $0xffff;
	v5 =	vadd.bf16 v5, v16;
	v3 =	vadd.bf16 v18, v3  }
0xef: {  	v1 =	vadd.bf16 v7, v1;
	v2 =	vadd.bf16 v11, v2;
	v7 =	vld.idx.msk [tilespmem:v27+s10+$0x0], $0xffff  }
0xf0: {  	v61 =	vld.idx.msk [tilespmem:v56+s10+$0x0], $0xffff;
	v4 =	vadd.bf16 v5, v4;
	v3 =	vadd.bf16 v3, v62  }
0xf1: {  	v63 =	vld.idx.msk [tilespmem:v30+s10+$0x0], $0xffff  }
0xf2: {  	v37 =	vld.idx.msk [tilespmem:v8+s10+$0x0], $0xffff;
	v1 =	vadd.bf16 v2, v1;
	v2 =	vadd.bf16 v3, v4  }
0xf3: {  	v5 =	vld.idx.msk [tilespmem:v22+s10+$0x0], $0xffff  }
0xf4: {  	v7 =	vadd.bf16 v7, v15;
	v15 =	vld.idx.msk [tilespmem:v21+s10+$0x0], $0xffff;
	v1 =	vadd.bf16 v2, v1  }
0xf5: {  	v11 =	vadd.bf16 v23, v20;
	v3 =	vld.idx.msk [tilespmem:v26+s10+$0x0], $0xffff  }
0xf6: {  	v12 =	vadd.bf16 v61, v60;
	v4 =	vadd.bf16 v9, v24;
	v9 =	vld.idx.msk [tilespmem:v25+s10+$0x0], $0xffff;
	v36 =	vunpack.i.l.bf16.f32 v1  }
0xf7: {  	v2 =	vld.idx.msk [tilespmem:v6+s10+$0x0], $0xffff;
	v1 =	vunpack.i.u.bf16.f32 v1;
	[tilespmem:s18+$0x10] =	vst v36  }
0xf8: {  	v7 =	vadd.bf16 v7, v12;
	v4 =	vadd.bf16 v4, v11;
	v11 =	vld.idx.msk [tilespmem:v10+s10+$0x0], $0xffff;
	[tilespmem:s18+$0x50] =	vst v1  }
0xf9: {  	v1 =	vld.idx.msk [tilespmem:v35+s11+$0x0], $0xffff  }
0xfa: {  	v4 =	vadd.bf16 v7, v4;
	v7 =	vld.idx.msk [tilespmem:v38+s11+$0x0], $0xffff  }
0xfb: {  	v3 =	vadd.bf16 v9, v3;
	v9 =	vld.idx.msk [tilespmem:v39+s11+$0x0], $0xffff  }
0xfc: {  	v52 =	vld.idx.msk [tilespmem:v42+s11+$0x0], $0xffff  }
0xfd: {  	v5 =	vadd.bf16 v63, v5;
	v53 =	vld.idx.msk [tilespmem:v43+s11+$0x0], $0xffff  }
0xfe: {  	v51 =	vadd.bf16 v37, v15;
	v54 =	vld.idx.msk [tilespmem:v44+s11+$0x0], $0xffff;
	v2 =	vadd.bf16 v11, v2  }
0xff: {  	v15 =	vld.idx.msk [tilespmem:v45+s11+$0x0], $0xffff  }
0x100: {  	v16 =	vld.idx.msk [tilespmem:v47+s11+$0x0], $0xffff;
	v3 =	vadd.bf16 v3, v5;
	v2 =	vadd.bf16 v51, v2  }
0x101: {  	v17 =	vld.idx.msk [tilespmem:v49+s11+$0x0], $0xffff  }
0x102: {  	v19 =	vld.idx.msk [tilespmem:v50+s11+$0x0], $0xffff;
	v2 =	vadd.bf16 v2, v3  }
0x103: {  	v5 =	vld.idx.msk [tilespmem:v40+s11+$0x0], $0xffff  }
0x104: {  	v11 =	vld.idx.msk [tilespmem:v41+s11+$0x0], $0xffff;
	v2 =	vadd.bf16 v2, v4  }
0x105: {  	v3 =	vld.idx.msk [tilespmem:v46+s11+$0x0], $0xffff  }
0x106: {  	v4 =	vld.idx.msk [tilespmem:v48+s11+$0x0], $0xffff;
	v18 =	vunpack.i.u.bf16.f32 v2;
	v2 =	vunpack.i.l.bf16.f32 v2  }
0x107: {  	[tilespmem:s18+$0xFFFFFF90] =	vst v2;
	v2 =	vld.idx.msk [tilespmem:v28+s11+$0x0], $0xffff  }
0x108: {  	[tilespmem:s18+$0xFFFFFFD0] =	vst v18;
	v18 =	vld.idx.msk [tilespmem:v29+s11+$0x0], $0xffff  }
0x109: {  	v1 =	vadd.bf16 v7, v1;
	v5 =	vadd.bf16 v5, v9;
	v20 =	vld.idx.msk [tilespmem:v55+s11+$0x0], $0xffff  }
0x10a: {  	v60 =	vadd.bf16 v19, v17;
	v9 =	vadd.bf16 v52, v11;
	v23 =	vld.idx.msk [tilespmem:v57+s11+$0x0], $0xffff  }
0x10b: {  	v11 =	vadd.bf16 v54, v53;
	v1 =	vadd.bf16 v5, v1;
	v24 =	vld.idx.msk [tilespmem:v34+s11+$0x0], $0xffff  }
0x10c: {  	v3 =	vadd.bf16 v3, v15;
	v7 =	vld.idx.msk [tilespmem:v32+s11+$0x0], $0xffff;
	v4 =	vadd.bf16 v4, v16  }
0x10d: {  	v15 =	vld.idx.msk [tilespmem:v31+s11+$0x0], $0xffff;
	v16 =	vmovc v8;
	v8 =	vmovc v21;
	v21 =	vmov v10;
	v10 =	vmov v6;
	v6 =	vmov v25  }
0x10e: {  	v5 =	vadd.bf16 v11, v9;
	v9 =	vld.idx.msk [tilespmem:v27+s11+$0x0], $0xffff;
	v2 =	vadd.bf16 v18, v2  }
0x10f: {  	v58 =	vld.idx.msk [tilespmem:v33+s11+$0x0], $0xffff  }
0x110: {  	v59 =	vld.idx.msk [tilespmem:v56+s11+$0x0], $0xffff;
	v3 =	vadd.bf16 v4, v3;
	v2 =	vadd.bf16 v2, v60  }
0x111: {  	v1 =	vadd.bf16 v5, v1;
	v61 =	vld.idx.msk [tilespmem:v30+s11+$0x0], $0xffff  }
0x112: {  	v18 =	vmov v22;
	v5 =	vadd.bf16 v7, v24;
	v7 =	vld.idx.msk [tilespmem:v6+s11+$0x0], $0xffff;
	v2 =	vadd.bf16 v2, v3  }
0x113: {  	v11 =	vadd.bf16 v23, v20;
	v9 =	vadd.bf16 v9, v15;
	v15 =	vld.idx.msk [tilespmem:v8+s11+$0x0], $0xffff  }
0x114: {  	v63 =	vld.idx.msk [tilespmem:v16+s11+$0x0], $0xffff;
	v1 =	vadd.bf16 v2, v1  }
0x115: {  	v5 =	vadd.bf16 v5, v11;
	v11 =	vld.idx.msk [tilespmem:v21+s11+$0x0], $0xffff  }
0x116: {  	v3 =	vld.idx.msk [tilespmem:v26+s11+$0x0], $0xffff;
	v62 =	vunpack.i.l.bf16.f32 v1  }
0x117: {  	v4 =	vld.idx.msk [tilespmem:v18+s11+$0x0], $0xffff;
	v1 =	vunpack.i.u.bf16.f32 v1;
	[tilespmem:s18+$0x20] =	vst v62  }
0x118: {  	v2 =	vld.idx.msk [tilespmem:v10+s11+$0x0], $0xffff;
	[tilespmem:s18+$0x60] =	vst v1  }
0x119: {  	v51 =	vld.idx.msk [tilespmem:v35+s12+$0x0], $0xffff  }
0x11a: {  	v52 =	vld.idx.msk [tilespmem:v38+s12+$0x0], $0xffff  }
0x11b: {  	v53 =	vld.idx.msk [tilespmem:v39+s12+$0x0], $0xffff  }
0x11c: {  	v1 =	vadd.bf16 v7, v3;
	v4 =	vadd.bf16 v61, v4;
	v40 =	vld.idx.msk [tilespmem:v40+s12+$0x0], $0xffff  }
0x11d: {  	v12 =	vadd.bf16 v59, v58;
	v41 =	vld.idx.msk [tilespmem:v41+s12+$0x0], $0xffff;
	v2 =	vadd.bf16 v11, v2  }
0x11e: {  	v37 =	vld.idx.msk [tilespmem:v42+s12+$0x0], $0xffff;
	v1 =	vadd.bf16 v1, v4;
	v4 =	vadd.bf16 v63, v15  }
0x11f: {  	v38 =	vld.idx.msk [tilespmem:v43+s12+$0x0], $0xffff  }
0x120: {  	s21 =	sadd.s32 $0x2, s21;
	v9 =	vadd.bf16 v9, v12;
	v43 =	vld.idx.msk [tilespmem:v44+s12+$0x0], $0xffff;
	v2 =	vadd.bf16 v4, v2  }
0x121: {  	p0 =	slt.u32 s21, $0x36;
	v39 =	vld.idx.msk [tilespmem:v45+s12+$0x0], $0xffff  }
.Ltmp0:
0x122: {  	v3 =	vadd.bf16 v9, v5;
	v42 =	vld.idx.msk [tilespmem:v46+s12+$0x0], $0xffff;
	v1 =	vadd.bf16 v2, v1;
	(pc) =	sbr.rel @p0 .LBB2_3-.Ltmp0, $4  }
0x123: {  	v44 =	vld.idx.msk [tilespmem:v47+s12+$0x0], $0xffff  }
0x124: {  	v46 =	vld.idx.msk [tilespmem:v48+s12+$0x0], $0xffff;
	v1 =	vadd.bf16 v1, v3  }
0x125: {  	v45 =	vld.idx.msk [tilespmem:v49+s12+$0x0], $0xffff  }
0x126: {  	s22 =	sadd.s32 $0x8, s22;
	s20 =	smov.u32 s18;
	v17 =	vmovc v27;
	v25 =	vmovc v26;
	v22 =	vmov v31;
	v47 =	vld.idx.msk [tilespmem:v50+s12+$0x0], $0xffff;
	v48 =	vunpack.i.u.bf16.f32 v1;
	v54 =	vunpack.i.l.bf16.f32 v1  }
0x127: {  	_ =	sdelay $0x3  }
0x128: {  	[tilespmem:s18+$0xFFFFFFA0] =	vst v54;
	v1 =	vld.idx.msk [tilespmem:v28+s12+$0x0], $0xffff  }
0x129: {  	[tilespmem:s18+$0xFFFFFFE0] =	vst v48;
	v2 =	vld.idx.msk [tilespmem:v29+s12+$0x0], $0xffff  }
0x12a: {  	v3 =	vld.idx.msk [tilespmem:v55+s12+$0x0], $0xffff  }
0x12b: {  	v4 =	vld.idx.msk [tilespmem:v57+s12+$0x0], $0xffff  }
0x12c: {  	v5 =	vld.idx.msk [tilespmem:v34+s12+$0x0], $0xffff  }
0x12d: {  	v7 =	vld.idx.msk [tilespmem:v32+s12+$0x0], $0xffff  }
0x12e: {  	v9 =	vld.idx.msk [tilespmem:v33+s12+$0x0], $0xffff  }
0x12f: {  	v11 =	vld.idx.msk [tilespmem:v56+s12+$0x0], $0xffff  }
0x130: {  	v12 =	vld.idx.msk [tilespmem:v22+s12+$0x0], $0xffff  }
0x131: {  	v13 =	vld.idx.msk [tilespmem:v17+s12+$0x0], $0xffff  }
0x132: {  	v14 =	vld.idx.msk [tilespmem:v18+s12+$0x0], $0xffff  }
0x133: {  	v15 =	vld.idx.msk [tilespmem:v30+s12+$0x0], $0xffff  }
0x134: {  	v26 =	vmov v16;
	v16 =	vadd.bf16 v52, v51;
	v19 =	vadd.bf16 v37, v41;
	v18 =	vld.idx.msk [tilespmem:v25+s12+$0x0], $0xffff  }
0x135: {  	v20 =	vadd.bf16 v43, v38;
	v17 =	vadd.bf16 v40, v53;
	v6 =	vld.idx.msk [tilespmem:v6+s12+$0x0], $0xffff  }
0x136: {  	v23 =	vadd.bf16 v42, v39;
	v63 =	vld.idx.msk [tilespmem:v10+s12+$0x0], $0xffff;
	v24 =	vadd.bf16 v46, v44  }
0x137: {  	v8 =	vld.idx.msk [tilespmem:v8+s12+$0x0], $0xffff;
	v16 =	vadd.bf16 v17, v16;
	v17 =	vadd.bf16 v20, v19  }
0x138: {  	v25 =	vadd.bf16 v47, v45;
	v1 =	vadd.bf16 v2, v1;
	v2 =	vld.idx.msk [tilespmem:v21+s12+$0x0], $0xffff  }
0x139: {  	v19 =	vadd.bf16 v24, v23;
	v10 =	vld.idx.msk [tilespmem:v26+s12+$0x0], $0xffff;
	v3 =	vadd.bf16 v4, v3  }
0x13a: {  	v4 =	vadd.bf16 v17, v16;
	v5 =	vadd.bf16 v7, v5  }
0x13b: {  	v7 =	vadd.bf16 v11, v9;
	v9 =	vadd.bf16 v13, v12  }
0x13c: {  	v11 =	vadd.bf16 v15, v14;
	v6 =	vadd.bf16 v6, v18  }
0x13d: {  	v1 =	vadd.bf16 v1, v25;
	v3 =	vadd.bf16 v5, v3  }
0x13e: {  	v2 =	vadd.bf16 v2, v63;
	v8 =	vadd.bf16 v10, v8  }
0x13f: {  	v5 =	vadd.bf16 v9, v7;
	v6 =	vadd.bf16 v6, v11  }
0x140: {  	v1 =	vadd.bf16 v1, v19;
	v2 =	vadd.bf16 v8, v2  }
0x141: {  	v3 =	vadd.bf16 v5, v3  }
0x142: {  	v1 =	vadd.bf16 v1, v4;
	v2 =	vadd.bf16 v2, v6;
	_ =	sdelay $0x1  }
0x143: {  	v4 =	vunpack.i.u.bf16.f32 v1;
	v2 =	vadd.bf16 v2, v3  }
0x144: {  	v1 =	vunpack.i.l.bf16.f32 v1;
	[tilespmem:s18+$0x70] =	vst v4  }
0x145: {  	s21 =	sadd.s32 s6, s17;
	s17 =	sadd.s32 $0x1, s17;
	[tilespmem:s18+$0x30] =	vst v1;
	v1 =	vunpack.i.l.bf16.f32 v2  }
0x146: {  	p0 =	sne.s32 s17, $0xE;
	v12 =	vimm.s32 $0x9;
	v2 =	vunpack.i.u.bf16.f32 v2;
	[tilespmem:s20+$0xFFFFFFB0] =	vst v1  }
.Ltmp1:
0x147: {  	v13 =	vimm.s32 $0xA;
	v14 =	vimm.s32 $0xB;
	v15 =	vimm.s32 $0xC;
	[tilespmem:s20+$0xFFFFFFF0] =	vst v2;
	(pc) =	sbr.rel @p0 .LBB2_2-.Ltmp1, $4  }
0x148: {  	s31 =	smul.u32 $0x380, s21;
	v16 =	vimm.s32 $0xD;
	v17 =	vimm.s32 $0xE;
	v18 =	vimm.s32 $0xF;
	v1 =	vld [tilespmem:$0x1FFE0]  }
0x149: {  	v7 =	vimm.s32 $0x3;
	v9 =	vimm.s32 $0x5;
	v11 =	vimm.s32 $0x8  }
0x14a: {  	s16 =	sadd.s32 $0x380, s16;
	s15 =	sadd.s32 $0x1, s15;
	v5 =	vimm.s32 $0x1;
	v10 =	vimm.s32 $0x7;
	v8 =	vimm.s32 $0x4;
	s18 =	sadd.s32 s2, s31  }
0x14b: {  	v4 =	vimm.s32 $0x0;
	v6 =	vimm.s32 $0x2;
	v2 =	vimm.s32 $0x6;
	[hbm4b:s18+s3] =	stream.linear.scatter [tilespmem:s19], [sflag:$0x1], $0x1C00, $0x38;
	v27 =	vld [tilespmem:$0x1FFF0]  }
0x14c: {  	_ =	swait.ge [sflag:s13], $0x1C00  }
0x14d: {  	[sflag:s13] =	ssyncset.done $0x0  }
0x14e: {  	[sflag:s13] =	ssyncadd.s32 $0xFFFFE400  }
0x14f: {  	_ =	swait.ge [sflag:s13], $0x1C00  }
0x150: {  	[sflag:s13] =	ssyncset.done $0x0  }
0x151: {  	s14 =	sadd.s32 $0x1, s14;
	[sflag:s13] =	ssyncadd.s32 $0xFFFFE400  }
0x152: {  	p0 =	sne.s32 s14, s7;
	_ =	swait.ge [sflag:s13], $0x1C00  }
.Ltmp2:
0x153: {  	[sflag:s13] =	ssyncset.done $0x0;
	(pc) =	sbr.rel @p0 .LBB2_1-.Ltmp2, $4  }
0x154: {  	[sflag:s13] =	ssyncadd.s32 $0xFFFFE400  }
0x155: {  	_ =	swait.ge [sflag:s13], $0x1C00  }
0x156: {  	[sflag:s13] =	ssyncset.done $0x0  }
0x157: {  	[sflag:s13] =	ssyncadd.s32 $0xFFFFE400  }
0x158: {  	_ =	sfence.sel $0x180000  }
0x159: {  	[bflag:$0x0] =	sbarrier.arrive $0xFFFF  }
0x15a: {  	p0 =	sne.s32 s0, $0x0;
	_ =	strace $0x90000047  }
0x15b: {  	s0 =	sadd.s32 @!p0 $0x100000, s1;
	[bflag:$0x2] =	sbarrier.arrive $0xFFFF  }
0x15c: {  	[sflag:s0] =	ssyncadd.tile.s32 @!p0 $0x1;
	_ =	shalt  }
.Lfunc_end2:
_tile_overlayer_lowered:
.L_overlay_start_2:
0x15d: {  	(tag) =	ssettag $0x2  }
0x15e: {  	s0 =	rddreg [dreg:$0x0];
	s2 =	stileid.u32  }
0x15f: {  	s1 =	rddreg [dreg:$0x1];
	p0 =	sne.s32 s2, $0x0  }
0x160: {  	s3 =	rddreg [dreg:$0x2];
	[bflag:$0x3] =	sbarrier.arrive $0xFFFF;
	s2 =	simm.s32 @!p0 $0x1C02  }
0x161: {  	[timem:s3], [sflag:s2] =	dma.local @!p0 [hbm:s0], s1  }
0x162: {  	s0 =	simm.s32 @!p0 $0x2  }
0x163: {  	_ =	swait.ge @!p0 [sflag:s0], s1  }
0x164: {  	s1 =	ssub.s32 @!p0 $0x0, s1;
	[sflag:s0] =	ssyncset.done @!p0 $0x0  }
0x165: {  	[sflag:s0] =	ssyncadd.s32 @!p0 s1  }
0x166: {  	[bflag:$0x3] =	sbarrier.arrive $0xFFFF  }
0x167: {  	_ =	shalt  }

</sc_bundles>
